<compile_context>
chip_gen: v7x
topology: tpu7x:2x2x1
jax: 0.10.2.dev20260603
libtpu: 0.0.44.dev20260713+nightly
codegen_flags: <defaults>
</compile_context>

<pallas_src>
import jax
import jax.numpy as jnp
from jax import lax
from jax.experimental import pallas as pl
from jax.experimental.pallas import tpu as pltpu
from jax.experimental.pallas import tpu_sc as plsc

_NUM_ENT = 10000
_NUM_REL = 100
_BATCH = 1024
_NUM_EDGES = 160000

_ENT_PAD = 10000
_REL_PAD = 128

_NS = 16
_EPT = _NUM_EDGES // _NS
_CHUNK = 128
_ROWS = 80
_TABLE = _ENT_PAD * _REL_PAD
_STRIPE = _TABLE // _NS
_ZBUF = _STRIPE // 5


def _sc_counts_body(dst_hbm, src_hbm, typ_hbm, out_in, out_out,
                    ids_v, typ_v, idx_v, vones, vtail, zbuf, shared, sem,
                    zsem):
    c = lax.axis_index("c")
    s = lax.axis_index("s")
    base = s * _EPT

    @pl.when(c == 0)
    def _():
        pltpu.async_copy(dst_hbm.at[pl.ds(base, _EPT)],
                         ids_v.at[pl.ds(0, _EPT)], sem)

    @pl.when(c != 0)
    def _():
        pltpu.async_copy(src_hbm.at[pl.ds(base, _EPT)],
                         ids_v.at[pl.ds(0, _EPT)], sem)

    typ_cp = pltpu.async_copy(typ_hbm.at[pl.ds(base, _EPT)],
                              typ_v.at[pl.ds(0, _EPT)], sem)

    n_full, tail = _EPT // _CHUNK, _EPT % _CHUNK
    for k in range(8):
        lane = lax.iota(jnp.int32, 16) + k * 16
        vones[pl.ds(k * 16, 16)] = jnp.ones((16,), jnp.float32)
        vtail[pl.ds(k * 16, 16)] = jnp.where(lane < tail, jnp.float32(1.0),
                                             jnp.float32(0.0))

    def zfill(i, carry):
        zbuf[pl.ds(i * 16, 16)] = jnp.zeros((16,), jnp.float32)
        return carry

    lax.fori_loop(0, _ZBUF // 16, zfill, None)
    zcps = [pltpu.async_copy(zbuf,
                             shared.at[pl.ds(s * _STRIPE + q * _ZBUF, _ZBUF)],
                             zsem)
            for q in range(5)]

    typ_cp.wait()
    pltpu.make_async_copy(typ_hbm.at[pl.ds(base, _EPT)],
                          ids_v.at[pl.ds(0, _EPT)], sem).wait()

    def fill_row(j, carry):
        for k in range(8):
            off = j * _CHUNK + k * 16
            ids16 = ids_v[pl.ds(off, 16)]
            typ16 = typ_v[pl.ds(off, 16)]
            idx_v[j, pl.ds(k * 16, 16)] = ids16 * _REL_PAD + typ16
        return carry

    lax.fori_loop(0, n_full, fill_row, None)
    for k in range(8):
        off = n_full * _CHUNK + k * 16
        ids16 = ids_v[pl.ds(off, 16)]
        typ16 = typ_v[pl.ds(off, 16)]
        pos = k * 16 + lax.iota(jnp.int32, 16)
        idx_v[n_full, pl.ds(k * 16, 16)] = jnp.where(
            pos < tail, ids16 * _REL_PAD + typ16, 0)

    for z in zcps:
        z.wait()
    plsc.subcore_barrier()

    def scat(o, carry):
        j0 = o * 13
        handles = []
        for b in range(13):
            handles.append(
                pltpu.async_copy(vones, shared.at[idx_v.at[j0 + b]], sem,
                                 add=True))
        for h in handles:
            h.wait()
        return carry

    lax.fori_loop(0, n_full // 13, scat, None)
    handles = []
    for j in range(13 * (n_full // 13), n_full):
        handles.append(
            pltpu.async_copy(vones, shared.at[idx_v.at[j]], sem, add=True))
    handles.append(
        pltpu.async_copy(vtail, shared.at[idx_v.at[n_full]], sem, add=True))
    for h in handles:
        h.wait()

    plsc.subcore_barrier()

    half = _ZBUF // 2
    prev_out = None
    for q in range(10):
        off = s * _STRIPE + q * half
        hoff = (q % 2) * half
        icp = pltpu.async_copy(shared.at[pl.ds(off, half)],
                               zbuf.at[pl.ds(hoff, half)], zsem)
        if prev_out is not None:
            prev_out.wait()
        icp.wait()

        @pl.when(c == 0)
        def _(hoff=hoff, off=off):
            pltpu.async_copy(zbuf.at[pl.ds(hoff, half)],
                             out_in.at[pl.ds(off, half)], sem)

        @pl.when(c != 0)
        def _(hoff=hoff, off=off):
            pltpu.async_copy(zbuf.at[pl.ds(hoff, half)],
                             out_out.at[pl.ds(off, half)], sem)

        prev_out = pltpu.make_async_copy(zbuf.at[pl.ds(hoff, half)],
                                         out_in.at[pl.ds(off, half)], sem)
    prev_out.wait()


def _sc_counts(dst, src, edge_type):
    mesh = plsc.VectorSubcoreMesh(core_axis_name="c", subcore_axis_name="s")
    f = pl.kernel(
        _sc_counts_body,
        out_type=[jax.ShapeDtypeStruct((_TABLE,), jnp.float32),
                  jax.ShapeDtypeStruct((_TABLE,), jnp.float32)],
        mesh=mesh,
        scratch_types=[
            pltpu.VMEM((_ROWS * _CHUNK,), jnp.int32),
            pltpu.VMEM((_ROWS * _CHUNK,), jnp.int32),
            pltpu.VMEM((_ROWS, _CHUNK), jnp.int32),
            pltpu.VMEM((_CHUNK,), jnp.float32),
            pltpu.VMEM((_CHUNK,), jnp.float32),
            pltpu.VMEM((_ZBUF,), jnp.float32),
            pltpu.VMEM_SHARED((_TABLE,), jnp.float32),
            pltpu.SemaphoreType.DMA,
            pltpu.SemaphoreType.DMA,
        ],
    )
    return f(dst, src, edge_type)


_BB = 128
_STEPS = _BATCH // _BB


def _fused_body(qr_ref, gamma_ref, inc_ref, outc_ref, orig_ref, o_ref,
                rps_ref):
    step = pl.program_id(0)

    @pl.when(step == 0)
    def _():
        inc = inc_ref[...]
        outc = outc_ref[...]
        ind_in = (inc > 0.0).astype(jnp.bfloat16)
        ind_out = (outc > 0.0).astype(jnp.bfloat16)
        dn = (((0,), (0,)), ((), ()))
        g_in = lax.dot_general(ind_in, ind_in, dn,
                               preferred_element_type=jnp.float32)
        g_out = lax.dot_general(ind_in, ind_out, dn,
                                preferred_element_type=jnp.float32)
        rr = lax.broadcasted_iota(jnp.int32, (_REL_PAD, _REL_PAD), 0)
        cc = lax.broadcasted_iota(jnp.int32, (_REL_PAD, _REL_PAD), 1)
        eye = (rr == cc).astype(jnp.float32)
        n_ans = jnp.sum(g_in * eye, axis=1, keepdims=True)
        denom = jnp.maximum(n_ans, 1.0)
        f_in = g_in / denom
        f_out = g_out / denom
        ep_in = jnp.log(1.0 + inc)
        ep_out = jnp.log(1.0 + outc)
        dn2 = (((1,), (1,)), ((), ()))
        raw = (lax.dot_general(f_in, ep_in, dn2,
                               preferred_element_type=jnp.float32)
               + lax.dot_general(f_out, ep_out, dn2,
                                 preferred_element_type=jnp.float32))
        s_min = jnp.min(raw, axis=1, keepdims=True)
        s_max = jnp.max(raw, axis=1, keepdims=True)
        rps_ref[...] = ((raw - s_min) / (s_max - s_min + 1e-8)
                        ).astype(jnp.bfloat16)

    @pl.when(step > 0)
    def _():
        qr = qr_ref[...]
        rel_ids = lax.broadcasted_iota(jnp.int32, (_BB, _REL_PAD), 1)
        onehot = (qr == rel_ids).astype(jnp.bfloat16)
        pat = lax.dot_general(onehot, rps_ref[:, :_NUM_ENT],
                              (((1,), (0,)), ((), ())),
                              preferred_element_type=jnp.float32)
        g = 1.0 / (1.0 + jnp.exp(-gamma_ref[0, 0]))
        o_ref[...] = orig_ref[...] + g * pat


def _fused(original_score, query_rel, in_counts, out_counts, gamma):
    prev = lambda i: (jnp.maximum(i - 1, 0), 0)
    return pl.pallas_call(
        _fused_body,
        grid=(_STEPS + 1,),
        in_specs=[
            pl.BlockSpec((_BB, 1), prev),
            pl.BlockSpec((1, 1), lambda i: (0, 0)),
            pl.BlockSpec((_ENT_PAD, _REL_PAD), lambda i: (0, 0)),
            pl.BlockSpec((_ENT_PAD, _REL_PAD), lambda i: (0, 0)),
            pl.BlockSpec((_BB, _NUM_ENT), prev),
        ],
        out_specs=pl.BlockSpec((_BB, _NUM_ENT), prev),
        out_shape=jax.ShapeDtypeStruct((_BATCH, _NUM_ENT), jnp.float32),
        scratch_shapes=[pltpu.VMEM((_REL_PAD, _ENT_PAD), jnp.bfloat16)],
    )(query_rel, gamma, in_counts, out_counts, original_score)


def kernel(original_score, query_rel, edge_index, edge_type, gamma):
    in_flat, out_flat = _sc_counts(edge_index[1], edge_index[0], edge_type)
    return _fused(original_score,
                  query_rel.reshape(_BATCH, 1),
                  in_flat.reshape(_ENT_PAD, _REL_PAD),
                  out_flat.reshape(_ENT_PAD, _REL_PAD),
                  jnp.reshape(gamma, (1, 1)).astype(jnp.float32))

# --- scband reference (transcript-rebuilt; emitter-appended) ---
"""Pipeline reference for scband-reverse-path-reasoner-8083128451780 (READ-ONLY COPY).

The authoritative reference and input builder live on the scoring server;
editing this copy changes nothing except your own understanding.
"""

import jax, jax.numpy as jnp
import numpy as np

NUM_RELATIONS = 50
NUM_ENT = 10000
NUM_REL_TOTAL = 2 * NUM_RELATIONS
NUM_PATTERNS = 2 * NUM_REL_TOTAL
BATCH = 1024
NUM_EDGES = 160000


def setup_inputs(seed: int = 0) -> dict:
    key = jax.random.key(seed)
    k1, k2, k3, k4 = jax.random.split(key, 4)
    original_score = jax.random.normal(k1, (BATCH, NUM_ENT), dtype=jnp.float32)
    query_rel = jax.random.randint(k2, (BATCH,), 0, NUM_REL_TOTAL, dtype=jnp.int32)
    edge_index = jax.random.randint(k3, (2, NUM_EDGES), 0, NUM_ENT, dtype=jnp.int32)
    edge_type = jax.random.randint(k4, (NUM_EDGES,), 0, NUM_REL_TOTAL, dtype=jnp.int32)
    gamma = jnp.array(-3.0, dtype=jnp.float32)
    return {"original_score": original_score, "query_rel": query_rel,
            "edge_index": edge_index, "edge_type": edge_type, "gamma": gamma}


def reference(original_score, query_rel, edge_index, edge_type, gamma):
    # --- build phase (first forward): vectorized faithful translation ---
    src = edge_index[0]
    dst = edge_index[1]
    # entity_pattern[e, dir*NUM_REL_TOTAL + r] = log1p(count of relation r in-/out-edges at e)
    in_counts = jnp.zeros((NUM_ENT, NUM_REL_TOTAL), jnp.float32).at[dst, edge_type].add(1.0)
    out_counts = jnp.zeros((NUM_ENT, NUM_REL_TOTAL), jnp.float32).at[src, edge_type].add(1.0)
    entity_pattern = jnp.concatenate([jnp.log1p(in_counts), jnp.log1p(out_counts)], axis=1)  # [NUM_ENT, NUM_PATTERNS]
    # answer sets: member[r, e] = 1 if there exists an edge of type r with dst e
    member = jnp.zeros((NUM_REL_TOTAL, NUM_ENT), jnp.float32).at[edge_type, dst].max(1.0)
    n_answers = member.sum(axis=1)  # [NUM_REL_TOTAL]
    indicator = (entity_pattern > 0).astype(jnp.float32)  # [NUM_ENT, NUM_PATTERNS]
    # freq_matrix[r, p] = (#answers of r with pattern p active) / n_answers[r]; rows with 0 answers stay 0
    freq_matrix = (member @ indicator) / jnp.maximum(n_answers, 1.0)[:, None]
    raw_scores = freq_matrix @ entity_pattern.T  # [NUM_REL_TOTAL, NUM_ENT]
    s_min = raw_scores.min(axis=1, keepdims=True)
    s_max = raw_scores.max(axis=1, keepdims=True)
    rel_pattern_scores = (raw_scores - s_min) / (s_max - s_min + 1e-08)
    # --- forward ---
    pattern_score = jnp.take(rel_pattern_scores, query_rel, axis=0)  # [B, NUM_ENT]
    g = jax.nn.sigmoid(gamma)
    final_score = original_score + g * pattern_score
    return final_score

if __name__ == "__main__":
    import jax
    _d = setup_inputs()
    print(jax.jit(kernel)(*tuple(_d.values())))

</pallas_src>

<mosaic_0001>
#map = affine_map<(d0, d1) -> (0)>
module attributes {stable_mosaic.version = 14 : i64} {
  func.func @_sc_counts_body(%arg0: i32, %arg1: i32, %arg2: memref<160000xi32, #tpu.memory_space<hbm>>, %arg3: memref<160000xi32, #tpu.memory_space<hbm>>, %arg4: memref<160000xi32, #tpu.memory_space<hbm>>, %arg5: memref<1280000xf32, #tpu.memory_space<hbm>>, %arg6: memref<1280000xf32, #tpu.memory_space<hbm>>, %arg7: memref<10240xi32, #tpu.memory_space<vmem>>, %arg8: memref<10240xi32, #tpu.memory_space<vmem>>, %arg9: memref<80x128xi32, #tpu.memory_space<vmem>>, %arg10: memref<128xf32, #tpu.memory_space<vmem>>, %arg11: memref<128xf32, #tpu.memory_space<vmem>>, %arg12: memref<16000xf32, #tpu.memory_space<vmem>>, %arg13: memref<1280000xf32, #tpu.memory_space<vmem_shared>>, %arg14: memref<!tpu.dma_semaphore, #tpu.memory_space<semaphore_mem>>, %arg15: memref<!tpu.dma_semaphore, #tpu.memory_space<semaphore_mem>>) attributes {dimension_semantics = [#tpu.dimension_semantics<core_parallel>, #tpu.dimension_semantics<subcore_parallel>], iteration_bounds = array<i64: 2, 16>, scalar_prefetch = 0 : i64, scratch_operands = 9 : i64, tpu.core_type = #tpu.core_type<sc_vector_subcore>, window_params = [{transform_indices = #map}, {transform_indices = #map}, {transform_indices = #map}, {transform_indices = #map}, {transform_indices = #map}]} {
    %mul3A = arith.constant 10000 : i32
    %mul3A_0 = arith.muli %arg1, %mul3A : i32
    %eq3A = arith.constant 0 : i32
    %eq3A_1 = arith.cmpi eq, %arg0, %eq3A : i32
    %convert_element_type3A = arith.extui %eq3A_1 : i1 to i32
    %cond3A = arith.constant 0 : i32
    %cond3A_2 = arith.cmpi ne, %convert_element_type3A, %cond3A : i32
    scf.if %cond3A_2 {
      %dma_start3A_786 = arith.constant 0 : i32
      %dma_start3A_787 = tpu.memref_slice %arg7[%dma_start3A_786] : memref<10240xi32, #tpu.memory_space<vmem>> -> memref<10000xi32, #tpu.memory_space<vmem>>
      %dma_start3A_788 = tpu.memref_slice %arg2[%mul3A_0] : memref<160000xi32, #tpu.memory_space<hbm>> -> memref<10000xi32, #tpu.memory_space<hbm>>
      %dma_start3A_789 = arith.constant 0 : i32
      %dma_start3A_790 = tpu.memref_slice %arg7[%dma_start3A_789] : memref<10240xi32, #tpu.memory_space<vmem>> -> memref<10000xi32, #tpu.memory_space<vmem>>
      %dma_start3A_791 = tpu.memref_slice %arg2[%mul3A_0] : memref<160000xi32, #tpu.memory_space<hbm>> -> memref<10000xi32, #tpu.memory_space<hbm>>
      tpu.enqueue_dma source(%dma_start3A_791 : memref<10000xi32, #tpu.memory_space<hbm>>) target(%dma_start3A_790 : memref<10000xi32, #tpu.memory_space<vmem>>) target_semaphore(%arg14 : memref<!tpu.dma_semaphore, #tpu.memory_space<semaphore_mem>>)
    } else {
    }
    %ne3A = arith.constant 0 : i32
    %ne3A_3 = arith.cmpi ne, %arg0, %ne3A : i32
    %convert_element_type3A_4 = arith.extui %ne3A_3 : i1 to i32
    %cond3A_5 = arith.constant 0 : i32
    %cond3A_6 = arith.cmpi ne, %convert_element_type3A_4, %cond3A_5 : i32
    scf.if %cond3A_6 {
      %dma_start3A_786 = arith.constant 0 : i32
      %dma_start3A_787 = tpu.memref_slice %arg7[%dma_start3A_786] : memref<10240xi32, #tpu.memory_space<vmem>> -> memref<10000xi32, #tpu.memory_space<vmem>>
      %dma_start3A_788 = tpu.memref_slice %arg3[%mul3A_0] : memref<160000xi32, #tpu.memory_space<hbm>> -> memref<10000xi32, #tpu.memory_space<hbm>>
      %dma_start3A_789 = arith.constant 0 : i32
      %dma_start3A_790 = tpu.memref_slice %arg7[%dma_start3A_789] : memref<10240xi32, #tpu.memory_space<vmem>> -> memref<10000xi32, #tpu.memory_space<vmem>>
      %dma_start3A_791 = tpu.memref_slice %arg3[%mul3A_0] : memref<160000xi32, #tpu.memory_space<hbm>> -> memref<10000xi32, #tpu.memory_space<hbm>>
      tpu.enqueue_dma source(%dma_start3A_791 : memref<10000xi32, #tpu.memory_space<hbm>>) target(%dma_start3A_790 : memref<10000xi32, #tpu.memory_space<vmem>>) target_semaphore(%arg14 : memref<!tpu.dma_semaphore, #tpu.memory_space<semaphore_mem>>)
    } else {
    }
    %dma_start3A = arith.constant 0 : i32
    %dma_start3A_7 = tpu.memref_slice %arg8[%dma_start3A] : memref<10240xi32, #tpu.memory_space<vmem>> -> memref<10000xi32, #tpu.memory_space<vmem>>
    %dma_start3A_8 = tpu.memref_slice %arg4[%mul3A_0] : memref<160000xi32, #tpu.memory_space<hbm>> -> memref<10000xi32, #tpu.memory_space<hbm>>
    %dma_start3A_9 = arith.constant 0 : i32
    %dma_start3A_10 = tpu.memref_slice %arg8[%dma_start3A_9] : memref<10240xi32, #tpu.memory_space<vmem>> -> memref<10000xi32, #tpu.memory_space<vmem>>
    %dma_start3A_11 = tpu.memref_slice %arg4[%mul3A_0] : memref<160000xi32, #tpu.memory_space<hbm>> -> memref<10000xi32, #tpu.memory_space<hbm>>
    tpu.enqueue_dma source(%dma_start3A_11 : memref<10000xi32, #tpu.memory_space<hbm>>) target(%dma_start3A_10 : memref<10000xi32, #tpu.memory_space<vmem>>) target_semaphore(%arg14 : memref<!tpu.dma_semaphore, #tpu.memory_space<semaphore_mem>>)
    %iota3A = tpu.iota {dimensions = array<i32: 0>} : vector<16xi32>
    %add3A = arith.constant 0 : i32
    %add3A_12 = vector.broadcast %add3A : i32 to vector<16xi32>
    %add3A_13 = arith.addi %iota3A, %add3A_12 : vector<16xi32>
    %broadcast_in_dim3A = arith.constant 1.000000e+00 : f32
    %broadcast_in_dim3A_14 = vector.broadcast %broadcast_in_dim3A : f32 to vector<16xf32>
    %swap3A = arith.constant 0 : index
    %swap3A_15 = tpu.vector_load %arg10[%swap3A] {strides = array<i32>} : memref<128xf32, #tpu.memory_space<vmem>>, vector<16xf32>,
    %swap3A_16 = vector.shape_cast %swap3A_15 : vector<16xf32> to vector<16xf32>
    %swap3A_17 = vector.shape_cast %broadcast_in_dim3A_14 : vector<16xf32> to vector<16xf32>
    tpu.vector_store %arg10[%swap3A], %swap3A_17 {strides = array<i32>} : memref<128xf32, #tpu.memory_space<vmem>>, vector<16xf32>,
    %lt3A = arith.constant 16 : i32
    %lt3A_18 = vector.broadcast %lt3A : i32 to vector<16xi32>
    %lt3A_19 = arith.cmpi slt, %add3A_13, %lt3A_18 : vector<16xi32>
    %jit3A = arith.constant 1.000000e+00 : f32
    %jit3A_20 = arith.constant 0.000000e+00 : f32
    %broadcast_in_dim3A_21 = vector.broadcast %jit3A : f32 to vector<16xf32>
    %broadcast_in_dim3A_22 = vector.broadcast %jit3A_20 : f32 to vector<16xf32>
    %select_n3A = arith.select %lt3A_19, %broadcast_in_dim3A_21, %broadcast_in_dim3A_22 : vector<16xi1>, vector<16xf32>
    %swap3A_23 = arith.constant 0 : index
    %swap3A_24 = tpu.vector_load %arg11[%swap3A_23] {strides = array<i32>} : memref<128xf32, #tpu.memory_space<vmem>>, vector<16xf32>,
    %swap3A_25 = vector.shape_cast %swap3A_24 : vector<16xf32> to vector<16xf32>
    %swap3A_26 = vector.shape_cast %select_n3A : vector<16xf32> to vector<16xf32>
    tpu.vector_store %arg11[%swap3A_23], %swap3A_26 {strides = array<i32>} : memref<128xf32, #tpu.memory_space<vmem>>, vector<16xf32>,
    %iota3A_27 = tpu.iota {dimensions = array<i32: 0>} : vector<16xi32>
    %add3A_28 = arith.constant 16 : i32
    %add3A_29 = vector.broadcast %add3A_28 : i32 to vector<16xi32>
    %add3A_30 = arith.addi %iota3A_27, %add3A_29 : vector<16xi32>
    %broadcast_in_dim3A_31 = arith.constant 1.000000e+00 : f32
    %broadcast_in_dim3A_32 = vector.broadcast %broadcast_in_dim3A_31 : f32 to vector<16xf32>
    %swap3A_33 = arith.constant 16 : index
    %swap3A_34 = tpu.vector_load %arg10[%swap3A_33] {strides = array<i32>} : memref<128xf32, #tpu.memory_space<vmem>>, vector<16xf32>,
    %swap3A_35 = vector.shape_cast %swap3A_34 : vector<16xf32> to vector<16xf32>
    %swap3A_36 = vector.shape_cast %broadcast_in_dim3A_32 : vector<16xf32> to vector<16xf32>
    tpu.vector_store %arg10[%swap3A_33], %swap3A_36 {strides = array<i32>} : memref<128xf32, #tpu.memory_space<vmem>>, vector<16xf32>,
    %lt3A_37 = arith.constant 16 : i32
    %lt3A_38 = vector.broadcast %lt3A_37 : i32 to vector<16xi32>
    %lt3A_39 = arith.cmpi slt, %add3A_30, %lt3A_38 : vector<16xi32>
    %jit3A_40 = arith.constant 1.000000e+00 : f32
    %jit3A_41 = arith.constant 0.000000e+00 : f32
    %broadcast_in_dim3A_42 = vector.broadcast %jit3A_40 : f32 to vector<16xf32>
    %broadcast_in_dim3A_43 = vector.broadcast %jit3A_41 : f32 to vector<16xf32>
    %select_n3A_44 = arith.select %lt3A_39, %broadcast_in_dim3A_42, %broadcast_in_dim3A_43 : vector<16xi1>, vector<16xf32>
    %swap3A_45 = arith.constant 16 : index
    %swap3A_46 = tpu.vector_load %arg11[%swap3A_45] {strides = array<i32>} : memref<128xf32, #tpu.memory_space<vmem>>, vector<16xf32>,
    %swap3A_47 = vector.shape_cast %swap3A_46 : vector<16xf32> to vector<16xf32>
    %swap3A_48 = vector.shape_cast %select_n3A_44 : vector<16xf32> to vector<16xf32>
    tpu.vector_store %arg11[%swap3A_45], %swap3A_48 {strides = array<i32>} : memref<128xf32, #tpu.memory_space<vmem>>, vector<16xf32>,
    %iota3A_49 = tpu.iota {dimensions = array<i32: 0>} : vector<16xi32>
    %add3A_50 = arith.constant 32 : i32
    %add3A_51 = vector.broadcast %add3A_50 : i32 to vector<16xi32>
    %add3A_52 = arith.addi %iota3A_49, %add3A_51 : vector<16xi32>
    %broadcast_in_dim3A_53 = arith.constant 1.000000e+00 : f32
    %broadcast_in_dim3A_54 = vector.broadcast %broadcast_in_dim3A_53 : f32 to vector<16xf32>
    %swap3A_55 = arith.constant 32 : index
    %swap3A_56 = tpu.vector_load %arg10[%swap3A_55] {strides = array<i32>} : memref<128xf32, #tpu.memory_space<vmem>>, vector<16xf32>,
    %swap3A_57 = vector.shape_cast %swap3A_56 : vector<16xf32> to vector<16xf32>
    %swap3A_58 = vector.shape_cast %broadcast_in_dim3A_54 : vector<16xf32> to vector<16xf32>
    tpu.vector_store %arg10[%swap3A_55], %swap3A_58 {strides = array<i32>} : memref<128xf32, #tpu.memory_space<vmem>>, vector<16xf32>,
    %lt3A_59 = arith.constant 16 : i32
    %lt3A_60 = vector.broadcast %lt3A_59 : i32 to vector<16xi32>
    %lt3A_61 = arith.cmpi slt, %add3A_52, %lt3A_60 : vector<16xi32>
    %jit3A_62 = arith.constant 1.000000e+00 : f32
    %jit3A_63 = arith.constant 0.000000e+00 : f32
    %broadcast_in_dim3A_64 = vector.broadcast %jit3A_62 : f32 to vector<16xf32>
    %broadcast_in_dim3A_65 = vector.broadcast %jit3A_63 : f32 to vector<16xf32>
    %select_n3A_66 = arith.select %lt3A_61, %broadcast_in_dim3A_64, %broadcast_in_dim3A_65 : vector<16xi1>, vector<16xf32>
    %swap3A_67 = arith.constant 32 : index
    %swap3A_68 = tpu.vector_load %arg11[%swap3A_67] {strides = array<i32>} : memref<128xf32, #tpu.memory_space<vmem>>, vector<16xf32>,
    %swap3A_69 = vector.shape_cast %swap3A_68 : vector<16xf32> to vector<16xf32>
    %swap3A_70 = vector.shape_cast %select_n3A_66 : vector<16xf32> to vector<16xf32>
    tpu.vector_store %arg11[%swap3A_67], %swap3A_70 {strides = array<i32>} : memref<128xf32, #tpu.memory_space<vmem>>, vector<16xf32>,
    %iota3A_71 = tpu.iota {dimensions = array<i32: 0>} : vector<16xi32>
    %add3A_72 = arith.constant 48 : i32
    %add3A_73 = vector.broadcast %add3A_72 : i32 to vector<16xi32>
    %add3A_74 = arith.addi %iota3A_71, %add3A_73 : vector<16xi32>
    %broadcast_in_dim3A_75 = arith.constant 1.000000e+00 : f32
    %broadcast_in_dim3A_76 = vector.broadcast %broadcast_in_dim3A_75 : f32 to vector<16xf32>
    %swap3A_77 = arith.constant 48 : index
    %swap3A_78 = tpu.vector_load %arg10[%swap3A_77] {strides = array<i32>} : memref<128xf32, #tpu.memory_space<vmem>>, vector<16xf32>,
    %swap3A_79 = vector.shape_cast %swap3A_78 : vector<16xf32> to vector<16xf32>
    %swap3A_80 = vector.shape_cast %broadcast_in_dim3A_76 : vector<16xf32> to vector<16xf32>
    tpu.vector_store %arg10[%swap3A_77], %swap3A_80 {strides = array<i32>} : memref<128xf32, #tpu.memory_space<vmem>>, vector<16xf32>,
    %lt3A_81 = arith.constant 16 : i32
    %lt3A_82 = vector.broadcast %lt3A_81 : i32 to vector<16xi32>
    %lt3A_83 = arith.cmpi slt, %add3A_74, %lt3A_82 : vector<16xi32>
    %jit3A_84 = arith.constant 1.000000e+00 : f32
    %jit3A_85 = arith.constant 0.000000e+00 : f32
    %broadcast_in_dim3A_86 = vector.broadcast %jit3A_84 : f32 to vector<16xf32>
    %broadcast_in_dim3A_87 = vector.broadcast %jit3A_85 : f32 to vector<16xf32>
    %select_n3A_88 = arith.select %lt3A_83, %broadcast_in_dim3A_86, %broadcast_in_dim3A_87 : vector<16xi1>, vector<16xf32>
    %swap3A_89 = arith.constant 48 : index
    %swap3A_90 = tpu.vector_load %arg11[%swap3A_89] {strides = array<i32>} : memref<128xf32, #tpu.memory_space<vmem>>, vector<16xf32>,
    %swap3A_91 = vector.shape_cast %swap3A_90 : vector<16xf32> to vector<16xf32>
    %swap3A_92 = vector.shape_cast %select_n3A_88 : vector<16xf32> to vector<16xf32>
    tpu.vector_store %arg11[%swap3A_89], %swap3A_92 {strides = array<i32>} : memref<128xf32, #tpu.memory_space<vmem>>, vector<16xf32>,
    %iota3A_93 = tpu.iota {dimensions = array<i32: 0>} : vector<16xi32>
    %add3A_94 = arith.constant 64 : i32
    %add3A_95 = vector.broadcast %add3A_94 : i32 to vector<16xi32>
    %add3A_96 = arith.addi %iota3A_93, %add3A_95 : vector<16xi32>
    %broadcast_in_dim3A_97 = arith.constant 1.000000e+00 : f32
    %broadcast_in_dim3A_98 = vector.broadcast %broadcast_in_dim3A_97 : f32 to vector<16xf32>
    %swap3A_99 = arith.constant 64 : index
    %swap3A_100 = tpu.vector_load %arg10[%swap3A_99] {strides = array<i32>} : memref<128xf32, #tpu.memory_space<vmem>>, vector<16xf32>,
    %swap3A_101 = vector.shape_cast %swap3A_100 : vector<16xf32> to vector<16xf32>
    %swap3A_102 = vector.shape_cast %broadcast_in_dim3A_98 : vector<16xf32> to vector<16xf32>
    tpu.vector_store %arg10[%swap3A_99], %swap3A_102 {strides = array<i32>} : memref<128xf32, #tpu.memory_space<vmem>>, vector<16xf32>,
    %lt3A_103 = arith.constant 16 : i32
    %lt3A_104 = vector.broadcast %lt3A_103 : i32 to vector<16xi32>
    %lt3A_105 = arith.cmpi slt, %add3A_96, %lt3A_104 : vector<16xi32>
    %jit3A_106 = arith.constant 1.000000e+00 : f32
    %jit3A_107 = arith.constant 0.000000e+00 : f32
    %broadcast_in_dim3A_108 = vector.broadcast %jit3A_106 : f32 to vector<16xf32>
    %broadcast_in_dim3A_109 = vector.broadcast %jit3A_107 : f32 to vector<16xf32>
    %select_n3A_110 = arith.select %lt3A_105, %broadcast_in_dim3A_108, %broadcast_in_dim3A_109 : vector<16xi1>, vector<16xf32>
    %swap3A_111 = arith.constant 64 : index
    %swap3A_112 = tpu.vector_load %arg11[%swap3A_111] {strides = array<i32>} : memref<128xf32, #tpu.memory_space<vmem>>, vector<16xf32>,
    %swap3A_113 = vector.shape_cast %swap3A_112 : vector<16xf32> to vector<16xf32>
    %swap3A_114 = vector.shape_cast %select_n3A_110 : vector<16xf32> to vector<16xf32>
    tpu.vector_store %arg11[%swap3A_111], %swap3A_114 {strides = array<i32>} : memref<128xf32, #tpu.memory_space<vmem>>, vector<16xf32>,
    %iota3A_115 = tpu.iota {dimensions = array<i32: 0>} : vector<16xi32>
    %add3A_116 = arith.constant 80 : i32
    %add3A_117 = vector.broadcast %add3A_116 : i32 to vector<16xi32>
    %add3A_118 = arith.addi %iota3A_115, %add3A_117 : vector<16xi32>
    %broadcast_in_dim3A_119 = arith.constant 1.000000e+00 : f32
    %broadcast_in_dim3A_120 = vector.broadcast %broadcast_in_dim3A_119 : f32 to vector<16xf32>
    %swap3A_121 = arith.constant 80 : index
    %swap3A_122 = tpu.vector_load %arg10[%swap3A_121] {strides = array<i32>} : memref<128xf32, #tpu.memory_space<vmem>>, vector<16xf32>,
    %swap3A_123 = vector.shape_cast %swap3A_122 : vector<16xf32> to vector<16xf32>
    %swap3A_124 = vector.shape_cast %broadcast_in_dim3A_120 : vector<16xf32> to vector<16xf32>
    tpu.vector_store %arg10[%swap3A_121], %swap3A_124 {strides = array<i32>} : memref<128xf32, #tpu.memory_space<vmem>>, vector<16xf32>,
    %lt3A_125 = arith.constant 16 : i32
    %lt3A_126 = vector.broadcast %lt3A_125 : i32 to vector<16xi32>
    %lt3A_127 = arith.cmpi slt, %add3A_118, %lt3A_126 : vector<16xi32>
    %jit3A_128 = arith.constant 1.000000e+00 : f32
    %jit3A_129 = arith.constant 0.000000e+00 : f32
    %broadcast_in_dim3A_130 = vector.broadcast %jit3A_128 : f32 to vector<16xf32>
    %broadcast_in_dim3A_131 = vector.broadcast %jit3A_129 : f32 to vector<16xf32>
    %select_n3A_132 = arith.select %lt3A_127, %broadcast_in_dim3A_130, %broadcast_in_dim3A_131 : vector<16xi1>, vector<16xf32>
    %swap3A_133 = arith.constant 80 : index
    %swap3A_134 = tpu.vector_load %arg11[%swap3A_133] {strides = array<i32>} : memref<128xf32, #tpu.memory_space<vmem>>, vector<16xf32>,
    %swap3A_135 = vector.shape_cast %swap3A_134 : vector<16xf32> to vector<16xf32>
    %swap3A_136 = vector.shape_cast %select_n3A_132 : vector<16xf32> to vector<16xf32>
    tpu.vector_store %arg11[%swap3A_133], %swap3A_136 {strides = array<i32>} : memref<128xf32, #tpu.memory_space<vmem>>, vector<16xf32>,
    %iota3A_137 = tpu.iota {dimensions = array<i32: 0>} : vector<16xi32>
    %add3A_138 = arith.constant 96 : i32
    %add3A_139 = vector.broadcast %add3A_138 : i32 to vector<16xi32>
    %add3A_140 = arith.addi %iota3A_137, %add3A_139 : vector<16xi32>
    %broadcast_in_dim3A_141 = arith.constant 1.000000e+00 : f32
    %broadcast_in_dim3A_142 = vector.broadcast %broadcast_in_dim3A_141 : f32 to vector<16xf32>
    %swap3A_143 = arith.constant 96 : index
    %swap3A_144 = tpu.vector_load %arg10[%swap3A_143] {strides = array<i32>} : memref<128xf32, #tpu.memory_space<vmem>>, vector<16xf32>,
    %swap3A_145 = vector.shape_cast %swap3A_144 : vector<16xf32> to vector<16xf32>
    %swap3A_146 = vector.shape_cast %broadcast_in_dim3A_142 : vector<16xf32> to vector<16xf32>
    tpu.vector_store %arg10[%swap3A_143], %swap3A_146 {strides = array<i32>} : memref<128xf32, #tpu.memory_space<vmem>>, vector<16xf32>,
    %lt3A_147 = arith.constant 16 : i32
    %lt3A_148 = vector.broadcast %lt3A_147 : i32 to vector<16xi32>
    %lt3A_149 = arith.cmpi slt, %add3A_140, %lt3A_148 : vector<16xi32>
    %jit3A_150 = arith.constant 1.000000e+00 : f32
    %jit3A_151 = arith.constant 0.000000e+00 : f32
    %broadcast_in_dim3A_152 = vector.broadcast %jit3A_150 : f32 to vector<16xf32>
    %broadcast_in_dim3A_153 = vector.broadcast %jit3A_151 : f32 to vector<16xf32>
    %select_n3A_154 = arith.select %lt3A_149, %broadcast_in_dim3A_152, %broadcast_in_dim3A_153 : vector<16xi1>, vector<16xf32>
    %swap3A_155 = arith.constant 96 : index
    %swap3A_156 = tpu.vector_load %arg11[%swap3A_155] {strides = array<i32>} : memref<128xf32, #tpu.memory_space<vmem>>, vector<16xf32>,
    %swap3A_157 = vector.shape_cast %swap3A_156 : vector<16xf32> to vector<16xf32>
    %swap3A_158 = vector.shape_cast %select_n3A_154 : vector<16xf32> to vector<16xf32>
    tpu.vector_store %arg11[%swap3A_155], %swap3A_158 {strides = array<i32>} : memref<128xf32, #tpu.memory_space<vmem>>, vector<16xf32>,
    %iota3A_159 = tpu.iota {dimensions = array<i32: 0>} : vector<16xi32>
    %add3A_160 = arith.constant 112 : i32
    %add3A_161 = vector.broadcast %add3A_160 : i32 to vector<16xi32>
    %add3A_162 = arith.addi %iota3A_159, %add3A_161 : vector<16xi32>
    %broadcast_in_dim3A_163 = arith.constant 1.000000e+00 : f32
    %broadcast_in_dim3A_164 = vector.broadcast %broadcast_in_dim3A_163 : f32 to vector<16xf32>
    %swap3A_165 = arith.constant 112 : index
    %swap3A_166 = tpu.vector_load %arg10[%swap3A_165] {strides = array<i32>} : memref<128xf32, #tpu.memory_space<vmem>>, vector<16xf32>,
    %swap3A_167 = vector.shape_cast %swap3A_166 : vector<16xf32> to vector<16xf32>
    %swap3A_168 = vector.shape_cast %broadcast_in_dim3A_164 : vector<16xf32> to vector<16xf32>
    tpu.vector_store %arg10[%swap3A_165], %swap3A_168 {strides = array<i32>} : memref<128xf32, #tpu.memory_space<vmem>>, vector<16xf32>,
    %lt3A_169 = arith.constant 16 : i32
    %lt3A_170 = vector.broadcast %lt3A_169 : i32 to vector<16xi32>
    %lt3A_171 = arith.cmpi slt, %add3A_162, %lt3A_170 : vector<16xi32>
    %jit3A_172 = arith.constant 1.000000e+00 : f32
    %jit3A_173 = arith.constant 0.000000e+00 : f32
    %broadcast_in_dim3A_174 = vector.broadcast %jit3A_172 : f32 to vector<16xf32>
    %broadcast_in_dim3A_175 = vector.broadcast %jit3A_173 : f32 to vector<16xf32>
    %select_n3A_176 = arith.select %lt3A_171, %broadcast_in_dim3A_174, %broadcast_in_dim3A_175 : vector<16xi1>, vector<16xf32>
    %swap3A_177 = arith.constant 112 : index
    %swap3A_178 = tpu.vector_load %arg11[%swap3A_177] {strides = array<i32>} : memref<128xf32, #tpu.memory_space<vmem>>, vector<16xf32>,
    %swap3A_179 = vector.shape_cast %swap3A_178 : vector<16xf32> to vector<16xf32>
    %swap3A_180 = vector.shape_cast %select_n3A_176 : vector<16xf32> to vector<16xf32>
    tpu.vector_store %arg11[%swap3A_177], %swap3A_180 {strides = array<i32>} : memref<128xf32, #tpu.memory_space<vmem>>, vector<16xf32>,
    %scan3A = arith.constant 0 : i32
    %scan3A_181 = arith.constant 1000 : i32
    %scan3A_182 = arith.addi %scan3A, %scan3A_181 : i32
    %scan3A_183 = arith.constant 1 : i32
    scf.for %scan3A_786 = %scan3A to %scan3A_182 step %scan3A_183  : i32 {
      %broadcast_in_dim3A_787 = arith.constant 0.000000e+00 : f32
      %broadcast_in_dim3A_788 = vector.broadcast %broadcast_in_dim3A_787 : f32 to vector<16xf32>
      %mul3A_789 = arith.constant 16 : i32
      %mul3A_790 = arith.muli %scan3A_786, %mul3A_789 : i32
      %swap3A_791 = arith.index_cast %mul3A_790 : i32 to index
      %swap3A_792 = tpu.vector_load %arg12[%swap3A_791] {strides = array<i32>} : memref<16000xf32, #tpu.memory_space<vmem>>, vector<16xf32>,
      %swap3A_793 = vector.shape_cast %swap3A_792 : vector<16xf32> to vector<16xf32>
      %swap3A_794 = vector.shape_cast %broadcast_in_dim3A_788 : vector<16xf32> to vector<16xf32>
      tpu.vector_store %arg12[%swap3A_791], %swap3A_794 {strides = array<i32>} : memref<16000xf32, #tpu.memory_space<vmem>>, vector<16xf32>,
    }
    %scan3A_184 = arith.constant 1000 : i32
    %mul3A_185 = arith.constant 80000 : i32
    %mul3A_186 = arith.muli %arg1, %mul3A_185 : i32
    %add3A_187 = arith.constant 0 : i32
    %add3A_188 = arith.addi %mul3A_186, %add3A_187 : i32
    %dma_start3A_189 = tpu.memref_slice %arg13[%add3A_188] : memref<1280000xf32, #tpu.memory_space<vmem_shared>> -> memref<16000xf32, #tpu.memory_space<vmem_shared>>
    %dma_start3A_190 = tpu.memref_slice %arg13[%add3A_188] : memref<1280000xf32, #tpu.memory_space<vmem_shared>> -> memref<16000xf32, #tpu.memory_space<vmem_shared>>
    tpu.enqueue_dma source(%arg12 : memref<16000xf32, #tpu.memory_space<vmem>>) target(%dma_start3A_190 : memref<16000xf32, #tpu.memory_space<vmem_shared>>) target_semaphore(%arg15 : memref<!tpu.dma_semaphore, #tpu.memory_space<semaphore_mem>>)
    %mul3A_191 = arith.constant 80000 : i32
    %mul3A_192 = arith.muli %arg1, %mul3A_191 : i32
    %add3A_193 = arith.constant 16000 : i32
    %add3A_194 = arith.addi %mul3A_192, %add3A_193 : i32
    %dma_start3A_195 = tpu.memref_slice %arg13[%add3A_194] : memref<1280000xf32, #tpu.memory_space<vmem_shared>> -> memref<16000xf32, #tpu.memory_space<vmem_shared>>
    %dma_start3A_196 = tpu.memref_slice %arg13[%add3A_194] : memref<1280000xf32, #tpu.memory_space<vmem_shared>> -> memref<16000xf32, #tpu.memory_space<vmem_shared>>
    tpu.enqueue_dma source(%arg12 : memref<16000xf32, #tpu.memory_space<vmem>>) target(%dma_start3A_196 : memref<16000xf32, #tpu.memory_space<vmem_shared>>) target_semaphore(%arg15 : memref<!tpu.dma_semaphore, #tpu.memory_space<semaphore_mem>>)
    %mul3A_197 = arith.constant 80000 : i32
    %mul3A_198 = arith.muli %arg1, %mul3A_197 : i32
    %add3A_199 = arith.constant 32000 : i32
    %add3A_200 = arith.addi %mul3A_198, %add3A_199 : i32
    %dma_start3A_201 = tpu.memref_slice %arg13[%add3A_200] : memref<1280000xf32, #tpu.memory_space<vmem_shared>> -> memref<16000xf32, #tpu.memory_space<vmem_shared>>
    %dma_start3A_202 = tpu.memref_slice %arg13[%add3A_200] : memref<1280000xf32, #tpu.memory_space<vmem_shared>> -> memref<16000xf32, #tpu.memory_space<vmem_shared>>
    tpu.enqueue_dma source(%arg12 : memref<16000xf32, #tpu.memory_space<vmem>>) target(%dma_start3A_202 : memref<16000xf32, #tpu.memory_space<vmem_shared>>) target_semaphore(%arg15 : memref<!tpu.dma_semaphore, #tpu.memory_space<semaphore_mem>>)
    %mul3A_203 = arith.constant 80000 : i32
    %mul3A_204 = arith.muli %arg1, %mul3A_203 : i32
    %add3A_205 = arith.constant 48000 : i32
    %add3A_206 = arith.addi %mul3A_204, %add3A_205 : i32
    %dma_start3A_207 = tpu.memref_slice %arg13[%add3A_206] : memref<1280000xf32, #tpu.memory_space<vmem_shared>> -> memref<16000xf32, #tpu.memory_space<vmem_shared>>
    %dma_start3A_208 = tpu.memref_slice %arg13[%add3A_206] : memref<1280000xf32, #tpu.memory_space<vmem_shared>> -> memref<16000xf32, #tpu.memory_space<vmem_shared>>
    tpu.enqueue_dma source(%arg12 : memref<16000xf32, #tpu.memory_space<vmem>>) target(%dma_start3A_208 : memref<16000xf32, #tpu.memory_space<vmem_shared>>) target_semaphore(%arg15 : memref<!tpu.dma_semaphore, #tpu.memory_space<semaphore_mem>>)
    %mul3A_209 = arith.constant 80000 : i32
    %mul3A_210 = arith.muli %arg1, %mul3A_209 : i32
    %add3A_211 = arith.constant 64000 : i32
    %add3A_212 = arith.addi %mul3A_210, %add3A_211 : i32
    %dma_start3A_213 = tpu.memref_slice %arg13[%add3A_212] : memref<1280000xf32, #tpu.memory_space<vmem_shared>> -> memref<16000xf32, #tpu.memory_space<vmem_shared>>
    %dma_start3A_214 = tpu.memref_slice %arg13[%add3A_212] : memref<1280000xf32, #tpu.memory_space<vmem_shared>> -> memref<16000xf32, #tpu.memory_space<vmem_shared>>
    tpu.enqueue_dma source(%arg12 : memref<16000xf32, #tpu.memory_space<vmem>>) target(%dma_start3A_214 : memref<16000xf32, #tpu.memory_space<vmem_shared>>) target_semaphore(%arg15 : memref<!tpu.dma_semaphore, #tpu.memory_space<semaphore_mem>>)
    %dma_wait3A = arith.constant 0 : i32
    %dma_wait3A_215 = tpu.memref_slice %arg8[%dma_wait3A] : memref<10240xi32, #tpu.memory_space<vmem>> -> memref<10000xi32, #tpu.memory_space<vmem>>
    %dma_wait3A_216 = tpu.memref_slice %arg4[%mul3A_0] : memref<160000xi32, #tpu.memory_space<hbm>> -> memref<10000xi32, #tpu.memory_space<hbm>>
    %dma_wait3A_217 = arith.constant 0 : i32
    %dma_wait3A_218 = tpu.memref_slice %arg8[%dma_wait3A_217] : memref<10240xi32, #tpu.memory_space<vmem>> -> memref<10000xi32, #tpu.memory_space<vmem>>
    %dma_wait3A_219 = tpu.memref_slice %arg4[%mul3A_0] : memref<160000xi32, #tpu.memory_space<hbm>> -> memref<10000xi32, #tpu.memory_space<hbm>>
    tpu.wait_dma2 semaphore(%arg14 : memref<!tpu.dma_semaphore, #tpu.memory_space<semaphore_mem>>) src(%dma_wait3A_219 : memref<10000xi32, #tpu.memory_space<hbm>>) dst(%dma_wait3A_218 : memref<10000xi32, #tpu.memory_space<vmem>>)
    %dma_wait3A_220 = arith.constant 0 : i32
    %dma_wait3A_221 = tpu.memref_slice %arg7[%dma_wait3A_220] : memref<10240xi32, #tpu.memory_space<vmem>> -> memref<10000xi32, #tpu.memory_space<vmem>>
    %dma_wait3A_222 = tpu.memref_slice %arg4[%mul3A_0] : memref<160000xi32, #tpu.memory_space<hbm>> -> memref<10000xi32, #tpu.memory_space<hbm>>
    %dma_wait3A_223 = arith.constant 0 : i32
    %dma_wait3A_224 = tpu.memref_slice %arg7[%dma_wait3A_223] : memref<10240xi32, #tpu.memory_space<vmem>> -> memref<10000xi32, #tpu.memory_space<vmem>>
    %dma_wait3A_225 = tpu.memref_slice %arg4[%mul3A_0] : memref<160000xi32, #tpu.memory_space<hbm>> -> memref<10000xi32, #tpu.memory_space<hbm>>
    tpu.wait_dma2 semaphore(%arg14 : memref<!tpu.dma_semaphore, #tpu.memory_space<semaphore_mem>>) src(%dma_wait3A_225 : memref<10000xi32, #tpu.memory_space<hbm>>) dst(%dma_wait3A_224 : memref<10000xi32, #tpu.memory_space<vmem>>)
    %scan3A_226 = arith.constant 0 : i32
    %scan3A_227 = arith.constant 78 : i32
    %scan3A_228 = arith.addi %scan3A_226, %scan3A_227 : i32
    %scan3A_229 = arith.constant 1 : i32
    scf.for %scan3A_786 = %scan3A_226 to %scan3A_228 step %scan3A_229  : i32 {
      %mul3A_787 = arith.constant 128 : i32
      %mul3A_788 = arith.muli %scan3A_786, %mul3A_787 : i32
      %add3A_789 = arith.constant 0 : i32
      %add3A_790 = arith.addi %mul3A_788, %add3A_789 : i32
      %get3A_791 = arith.index_cast %add3A_790 : i32 to index
      %get3A_792 = tpu.vector_load %arg7[%get3A_791] {strides = array<i32>} : memref<10240xi32, #tpu.memory_space<vmem>>, vector<16xi32>,
      %get3A_793 = vector.shape_cast %get3A_792 : vector<16xi32> to vector<16xi32>
      %get3A_794 = arith.index_cast %add3A_790 : i32 to index
      %get3A_795 = tpu.vector_load %arg8[%get3A_794] {strides = array<i32>} : memref<10240xi32, #tpu.memory_space<vmem>>, vector<16xi32>,
      %get3A_796 = vector.shape_cast %get3A_795 : vector<16xi32> to vector<16xi32>
      %mul3A_797 = arith.constant 128 : i32
      %mul3A_798 = vector.broadcast %mul3A_797 : i32 to vector<16xi32>
      %mul3A_799 = arith.muli %get3A_793, %mul3A_798 : vector<16xi32>
      %add3A_800 = arith.addi %mul3A_799, %get3A_796 : vector<16xi32>
      %swap3A_801 = arith.index_cast %scan3A_786 : i32 to index
      %swap3A_802 = arith.constant 0 : index
      %swap3A_803 = tpu.vector_load %arg9[%swap3A_801, %swap3A_802] {strides = array<i32>} : memref<80x128xi32, #tpu.memory_space<vmem>>, vector<1x16xi32>,
      %swap3A_804 = vector.shape_cast %swap3A_803 : vector<1x16xi32> to vector<16xi32>
      %swap3A_805 = vector.shape_cast %add3A_800 : vector<16xi32> to vector<1x16xi32>
      tpu.vector_store %arg9[%swap3A_801, %swap3A_802], %swap3A_805 {strides = array<i32>} : memref<80x128xi32, #tpu.memory_space<vmem>>, vector<1x16xi32>,
      %mul3A_806 = arith.constant 128 : i32
      %mul3A_807 = arith.muli %scan3A_786, %mul3A_806 : i32
      %add3A_808 = arith.constant 16 : i32
      %add3A_809 = arith.addi %mul3A_807, %add3A_808 : i32
      %get3A_810 = arith.index_cast %add3A_809 : i32 to index
      %get3A_811 = tpu.vector_load %arg7[%get3A_810] {strides = array<i32>} : memref<10240xi32, #tpu.memory_space<vmem>>, vector<16xi32>,
      %get3A_812 = vector.shape_cast %get3A_811 : vector<16xi32> to vector<16xi32>
      %get3A_813 = arith.index_cast %add3A_809 : i32 to index
      %get3A_814 = tpu.vector_load %arg8[%get3A_813] {strides = array<i32>} : memref<10240xi32, #tpu.memory_space<vmem>>, vector<16xi32>,
      %get3A_815 = vector.shape_cast %get3A_814 : vector<16xi32> to vector<16xi32>
      %mul3A_816 = arith.constant 128 : i32
      %mul3A_817 = vector.broadcast %mul3A_816 : i32 to vector<16xi32>
      %mul3A_818 = arith.muli %get3A_812, %mul3A_817 : vector<16xi32>
      %add3A_819 = arith.addi %mul3A_818, %get3A_815 : vector<16xi32>
      %swap3A_820 = arith.index_cast %scan3A_786 : i32 to index
      %swap3A_821 = arith.constant 16 : index
      %swap3A_822 = tpu.vector_load %arg9[%swap3A_820, %swap3A_821] {strides = array<i32>} : memref<80x128xi32, #tpu.memory_space<vmem>>, vector<1x16xi32>,
      %swap3A_823 = vector.shape_cast %swap3A_822 : vector<1x16xi32> to vector<16xi32>
      %swap3A_824 = vector.shape_cast %add3A_819 : vector<16xi32> to vector<1x16xi32>
      tpu.vector_store %arg9[%swap3A_820, %swap3A_821], %swap3A_824 {strides = array<i32>} : memref<80x128xi32, #tpu.memory_space<vmem>>, vector<1x16xi32>,
      %mul3A_825 = arith.constant 128 : i32
      %mul3A_826 = arith.muli %scan3A_786, %mul3A_825 : i32
      %add3A_827 = arith.constant 32 : i32
      %add3A_828 = arith.addi %mul3A_826, %add3A_827 : i32
      %get3A_829 = arith.index_cast %add3A_828 : i32 to index
      %get3A_830 = tpu.vector_load %arg7[%get3A_829] {strides = array<i32>} : memref<10240xi32, #tpu.memory_space<vmem>>, vector<16xi32>,
      %get3A_831 = vector.shape_cast %get3A_830 : vector<16xi32> to vector<16xi32>
      %get3A_832 = arith.index_cast %add3A_828 : i32 to index
      %get3A_833 = tpu.vector_load %arg8[%get3A_832] {strides = array<i32>} : memref<10240xi32, #tpu.memory_space<vmem>>, vector<16xi32>,
      %get3A_834 = vector.shape_cast %get3A_833 : vector<16xi32> to vector<16xi32>
      %mul3A_835 = arith.constant 128 : i32
      %mul3A_836 = vector.broadcast %mul3A_835 : i32 to vector<16xi32>
      %mul3A_837 = arith.muli %get3A_831, %mul3A_836 : vector<16xi32>
      %add3A_838 = arith.addi %mul3A_837, %get3A_834 : vector<16xi32>
      %swap3A_839 = arith.index_cast %scan3A_786 : i32 to index
      %swap3A_840 = arith.constant 32 : index
      %swap3A_841 = tpu.vector_load %arg9[%swap3A_839, %swap3A_840] {strides = array<i32>} : memref<80x128xi32, #tpu.memory_space<vmem>>, vector<1x16xi32>,
      %swap3A_842 = vector.shape_cast %swap3A_841 : vector<1x16xi32> to vector<16xi32>
      %swap3A_843 = vector.shape_cast %add3A_838 : vector<16xi32> to vector<1x16xi32>
      tpu.vector_store %arg9[%swap3A_839, %swap3A_840], %swap3A_843 {strides = array<i32>} : memref<80x128xi32, #tpu.memory_space<vmem>>, vector<1x16xi32>,
      %mul3A_844 = arith.constant 128 : i32
      %mul3A_845 = arith.muli %scan3A_786, %mul3A_844 : i32
      %add3A_846 = arith.constant 48 : i32
      %add3A_847 = arith.addi %mul3A_845, %add3A_846 : i32
      %get3A_848 = arith.index_cast %add3A_847 : i32 to index
      %get3A_849 = tpu.vector_load %arg7[%get3A_848] {strides = array<i32>} : memref<10240xi32, #tpu.memory_space<vmem>>, vector<16xi32>,
      %get3A_850 = vector.shape_cast %get3A_849 : vector<16xi32> to vector<16xi32>
      %get3A_851 = arith.index_cast %add3A_847 : i32 to index
      %get3A_852 = tpu.vector_load %arg8[%get3A_851] {strides = array<i32>} : memref<10240xi32, #tpu.memory_space<vmem>>, vector<16xi32>,
      %get3A_853 = vector.shape_cast %get3A_852 : vector<16xi32> to vector<16xi32>
      %mul3A_854 = arith.constant 128 : i32
      %mul3A_855 = vector.broadcast %mul3A_854 : i32 to vector<16xi32>
      %mul3A_856 = arith.muli %get3A_850, %mul3A_855 : vector<16xi32>
      %add3A_857 = arith.addi %mul3A_856, %get3A_853 : vector<16xi32>
      %swap3A_858 = arith.index_cast %scan3A_786 : i32 to index
      %swap3A_859 = arith.constant 48 : index
      %swap3A_860 = tpu.vector_load %arg9[%swap3A_858, %swap3A_859] {strides = array<i32>} : memref<80x128xi32, #tpu.memory_space<vmem>>, vector<1x16xi32>,
      %swap3A_861 = vector.shape_cast %swap3A_860 : vector<1x16xi32> to vector<16xi32>
      %swap3A_862 = vector.shape_cast %add3A_857 : vector<16xi32> to vector<1x16xi32>
      tpu.vector_store %arg9[%swap3A_858, %swap3A_859], %swap3A_862 {strides = array<i32>} : memref<80x128xi32, #tpu.memory_space<vmem>>, vector<1x16xi32>,
      %mul3A_863 = arith.constant 128 : i32
      %mul3A_864 = arith.muli %scan3A_786, %mul3A_863 : i32
      %add3A_865 = arith.constant 64 : i32
      %add3A_866 = arith.addi %mul3A_864, %add3A_865 : i32
      %get3A_867 = arith.index_cast %add3A_866 : i32 to index
      %get3A_868 = tpu.vector_load %arg7[%get3A_867] {strides = array<i32>} : memref<10240xi32, #tpu.memory_space<vmem>>, vector<16xi32>,
      %get3A_869 = vector.shape_cast %get3A_868 : vector<16xi32> to vector<16xi32>
      %get3A_870 = arith.index_cast %add3A_866 : i32 to index
      %get3A_871 = tpu.vector_load %arg8[%get3A_870] {strides = array<i32>} : memref<10240xi32, #tpu.memory_space<vmem>>, vector<16xi32>,
      %get3A_872 = vector.shape_cast %get3A_871 : vector<16xi32> to vector<16xi32>
      %mul3A_873 = arith.constant 128 : i32
      %mul3A_874 = vector.broadcast %mul3A_873 : i32 to vector<16xi32>
      %mul3A_875 = arith.muli %get3A_869, %mul3A_874 : vector<16xi32>
      %add3A_876 = arith.addi %mul3A_875, %get3A_872 : vector<16xi32>
      %swap3A_877 = arith.index_cast %scan3A_786 : i32 to index
      %swap3A_878 = arith.constant 64 : index
      %swap3A_879 = tpu.vector_load %arg9[%swap3A_877, %swap3A_878] {strides = array<i32>} : memref<80x128xi32, #tpu.memory_space<vmem>>, vector<1x16xi32>,
      %swap3A_880 = vector.shape_cast %swap3A_879 : vector<1x16xi32> to vector<16xi32>
      %swap3A_881 = vector.shape_cast %add3A_876 : vector<16xi32> to vector<1x16xi32>
      tpu.vector_store %arg9[%swap3A_877, %swap3A_878], %swap3A_881 {strides = array<i32>} : memref<80x128xi32, #tpu.memory_space<vmem>>, vector<1x16xi32>,
      %mul3A_882 = arith.constant 128 : i32
      %mul3A_883 = arith.muli %scan3A_786, %mul3A_882 : i32
      %add3A_884 = arith.constant 80 : i32
      %add3A_885 = arith.addi %mul3A_883, %add3A_884 : i32
      %get3A_886 = arith.index_cast %add3A_885 : i32 to index
      %get3A_887 = tpu.vector_load %arg7[%get3A_886] {strides = array<i32>} : memref<10240xi32, #tpu.memory_space<vmem>>, vector<16xi32>,
      %get3A_888 = vector.shape_cast %get3A_887 : vector<16xi32> to vector<16xi32>
      %get3A_889 = arith.index_cast %add3A_885 : i32 to index
      %get3A_890 = tpu.vector_load %arg8[%get3A_889] {strides = array<i32>} : memref<10240xi32, #tpu.memory_space<vmem>>, vector<16xi32>,
      %get3A_891 = vector.shape_cast %get3A_890 : vector<16xi32> to vector<16xi32>
      %mul3A_892 = arith.constant 128 : i32
      %mul3A_893 = vector.broadcast %mul3A_892 : i32 to vector<16xi32>
      %mul3A_894 = arith.muli %get3A_888, %mul3A_893 : vector<16xi32>
      %add3A_895 = arith.addi %mul3A_894, %get3A_891 : vector<16xi32>
      %swap3A_896 = arith.index_cast %scan3A_786 : i32 to index
      %swap3A_897 = arith.constant 80 : index
      %swap3A_898 = tpu.vector_load %arg9[%swap3A_896, %swap3A_897] {strides = array<i32>} : memref<80x128xi32, #tpu.memory_space<vmem>>, vector<1x16xi32>,
      %swap3A_899 = vector.shape_cast %swap3A_898 : vector<1x16xi32> to vector<16xi32>
      %swap3A_900 = vector.shape_cast %add3A_895 : vector<16xi32> to vector<1x16xi32>
      tpu.vector_store %arg9[%swap3A_896, %swap3A_897], %swap3A_900 {strides = array<i32>} : memref<80x128xi32, #tpu.memory_space<vmem>>, vector<1x16xi32>,
      %mul3A_901 = arith.constant 128 : i32
      %mul3A_902 = arith.muli %scan3A_786, %mul3A_901 : i32
      %add3A_903 = arith.constant 96 : i32
      %add3A_904 = arith.addi %mul3A_902, %add3A_903 : i32
      %get3A_905 = arith.index_cast %add3A_904 : i32 to index
      %get3A_906 = tpu.vector_load %arg7[%get3A_905] {strides = array<i32>} : memref<10240xi32, #tpu.memory_space<vmem>>, vector<16xi32>,
      %get3A_907 = vector.shape_cast %get3A_906 : vector<16xi32> to vector<16xi32>
      %get3A_908 = arith.index_cast %add3A_904 : i32 to index
      %get3A_909 = tpu.vector_load %arg8[%get3A_908] {strides = array<i32>} : memref<10240xi32, #tpu.memory_space<vmem>>, vector<16xi32>,
      %get3A_910 = vector.shape_cast %get3A_909 : vector<16xi32> to vector<16xi32>
      %mul3A_911 = arith.constant 128 : i32
      %mul3A_912 = vector.broadcast %mul3A_911 : i32 to vector<16xi32>
      %mul3A_913 = arith.muli %get3A_907, %mul3A_912 : vector<16xi32>
      %add3A_914 = arith.addi %mul3A_913, %get3A_910 : vector<16xi32>
      %swap3A_915 = arith.index_cast %scan3A_786 : i32 to index
      %swap3A_916 = arith.constant 96 : index
      %swap3A_917 = tpu.vector_load %arg9[%swap3A_915, %swap3A_916] {strides = array<i32>} : memref<80x128xi32, #tpu.memory_space<vmem>>, vector<1x16xi32>,
      %swap3A_918 = vector.shape_cast %swap3A_917 : vector<1x16xi32> to vector<16xi32>
      %swap3A_919 = vector.shape_cast %add3A_914 : vector<16xi32> to vector<1x16xi32>
      tpu.vector_store %arg9[%swap3A_915, %swap3A_916], %swap3A_919 {strides = array<i32>} : memref<80x128xi32, #tpu.memory_space<vmem>>, vector<1x16xi32>,
      %mul3A_920 = arith.constant 128 : i32
      %mul3A_921 = arith.muli %scan3A_786, %mul3A_920 : i32
      %add3A_922 = arith.constant 112 : i32
      %add3A_923 = arith.addi %mul3A_921, %add3A_922 : i32
      %get3A_924 = arith.index_cast %add3A_923 : i32 to index
      %get3A_925 = tpu.vector_load %arg7[%get3A_924] {strides = array<i32>} : memref<10240xi32, #tpu.memory_space<vmem>>, vector<16xi32>,
      %get3A_926 = vector.shape_cast %get3A_925 : vector<16xi32> to vector<16xi32>
      %get3A_927 = arith.index_cast %add3A_923 : i32 to index
      %get3A_928 = tpu.vector_load %arg8[%get3A_927] {strides = array<i32>} : memref<10240xi32, #tpu.memory_space<vmem>>, vector<16xi32>,
      %get3A_929 = vector.shape_cast %get3A_928 : vector<16xi32> to vector<16xi32>
      %mul3A_930 = arith.constant 128 : i32
      %mul3A_931 = vector.broadcast %mul3A_930 : i32 to vector<16xi32>
      %mul3A_932 = arith.muli %get3A_926, %mul3A_931 : vector<16xi32>
      %add3A_933 = arith.addi %mul3A_932, %get3A_929 : vector<16xi32>
      %swap3A_934 = arith.index_cast %scan3A_786 : i32 to index
      %swap3A_935 = arith.constant 112 : index
      %swap3A_936 = tpu.vector_load %arg9[%swap3A_934, %swap3A_935] {strides = array<i32>} : memref<80x128xi32, #tpu.memory_space<vmem>>, vector<1x16xi32>,
      %swap3A_937 = vector.shape_cast %swap3A_936 : vector<1x16xi32> to vector<16xi32>
      %swap3A_938 = vector.shape_cast %add3A_933 : vector<16xi32> to vector<1x16xi32>
      tpu.vector_store %arg9[%swap3A_934, %swap3A_935], %swap3A_938 {strides = array<i32>} : memref<80x128xi32, #tpu.memory_space<vmem>>, vector<1x16xi32>,
    }
    %scan3A_230 = arith.constant 78 : i32
    %get3A = arith.constant 9984 : index
    %get3A_231 = tpu.vector_load %arg7[%get3A] {strides = array<i32>} : memref<10240xi32, #tpu.memory_space<vmem>>, vector<16xi32>,
    %get3A_232 = vector.shape_cast %get3A_231 : vector<16xi32> to vector<16xi32>
    %get3A_233 = arith.constant 9984 : index
    %get3A_234 = tpu.vector_load %arg8[%get3A_233] {strides = array<i32>} : memref<10240xi32, #tpu.memory_space<vmem>>, vector<16xi32>,
    %get3A_235 = vector.shape_cast %get3A_234 : vector<16xi32> to vector<16xi32>
    %iota3A_236 = tpu.iota {dimensions = array<i32: 0>} : vector<16xi32>
    %add3A_237 = arith.constant 0 : i32
    %add3A_238 = vector.broadcast %add3A_237 : i32 to vector<16xi32>
    %add3A_239 = arith.addi %add3A_238, %iota3A_236 : vector<16xi32>
    %lt3A_240 = arith.constant 16 : i32
    %lt3A_241 = vector.broadcast %lt3A_240 : i32 to vector<16xi32>
    %lt3A_242 = arith.cmpi slt, %add3A_239, %lt3A_241 : vector<16xi32>
    %mul3A_243 = arith.constant 128 : i32
    %mul3A_244 = vector.broadcast %mul3A_243 : i32 to vector<16xi32>
    %mul3A_245 = arith.muli %get3A_232, %mul3A_244 : vector<16xi32>
    %add3A_246 = arith.addi %mul3A_245, %get3A_235 : vector<16xi32>
    %jit3A_247 = arith.constant 0 : i32
    %broadcast_in_dim3A_248 = vector.broadcast %jit3A_247 : i32 to vector<16xi32>
    %select_n3A_249 = arith.select %lt3A_242, %add3A_246, %broadcast_in_dim3A_248 : vector<16xi1>, vector<16xi32>
    %swap3A_250 = arith.constant 78 : i32
    %swap3A_251 = arith.index_cast %swap3A_250 : i32 to index
    %swap3A_252 = arith.constant 0 : index
    %swap3A_253 = tpu.vector_load %arg9[%swap3A_251, %swap3A_252] {strides = array<i32>} : memref<80x128xi32, #tpu.memory_space<vmem>>, vector<1x16xi32>,
    %swap3A_254 = vector.shape_cast %swap3A_253 : vector<1x16xi32> to vector<16xi32>
    %swap3A_255 = vector.shape_cast %select_n3A_249 : vector<16xi32> to vector<1x16xi32>
    tpu.vector_store %arg9[%swap3A_251, %swap3A_252], %swap3A_255 {strides = array<i32>} : memref<80x128xi32, #tpu.memory_space<vmem>>, vector<1x16xi32>,
    %get3A_256 = arith.constant 10000 : index
    %get3A_257 = tpu.vector_load %arg7[%get3A_256] {strides = array<i32>} : memref<10240xi32, #tpu.memory_space<vmem>>, vector<16xi32>,
    %get3A_258 = vector.shape_cast %get3A_257 : vector<16xi32> to vector<16xi32>
    %get3A_259 = arith.constant 10000 : index
    %get3A_260 = tpu.vector_load %arg8[%get3A_259] {strides = array<i32>} : memref<10240xi32, #tpu.memory_space<vmem>>, vector<16xi32>,
    %get3A_261 = vector.shape_cast %get3A_260 : vector<16xi32> to vector<16xi32>
    %iota3A_262 = tpu.iota {dimensions = array<i32: 0>} : vector<16xi32>
    %add3A_263 = arith.constant 16 : i32
    %add3A_264 = vector.broadcast %add3A_263 : i32 to vector<16xi32>
    %add3A_265 = arith.addi %add3A_264, %iota3A_262 : vector<16xi32>
    %lt3A_266 = arith.constant 16 : i32
    %lt3A_267 = vector.broadcast %lt3A_266 : i32 to vector<16xi32>
    %lt3A_268 = arith.cmpi slt, %add3A_265, %lt3A_267 : vector<16xi32>
    %mul3A_269 = arith.constant 128 : i32
    %mul3A_270 = vector.broadcast %mul3A_269 : i32 to vector<16xi32>
    %mul3A_271 = arith.muli %get3A_258, %mul3A_270 : vector<16xi32>
    %add3A_272 = arith.addi %mul3A_271, %get3A_261 : vector<16xi32>
    %jit3A_273 = arith.constant 0 : i32
    %broadcast_in_dim3A_274 = vector.broadcast %jit3A_273 : i32 to vector<16xi32>
    %select_n3A_275 = arith.select %lt3A_268, %add3A_272, %broadcast_in_dim3A_274 : vector<16xi1>, vector<16xi32>
    %swap3A_276 = arith.constant 78 : i32
    %swap3A_277 = arith.index_cast %swap3A_276 : i32 to index
    %swap3A_278 = arith.constant 16 : index
    %swap3A_279 = tpu.vector_load %arg9[%swap3A_277, %swap3A_278] {strides = array<i32>} : memref<80x128xi32, #tpu.memory_space<vmem>>, vector<1x16xi32>,
    %swap3A_280 = vector.shape_cast %swap3A_279 : vector<1x16xi32> to vector<16xi32>
    %swap3A_281 = vector.shape_cast %select_n3A_275 : vector<16xi32> to vector<1x16xi32>
    tpu.vector_store %arg9[%swap3A_277, %swap3A_278], %swap3A_281 {strides = array<i32>} : memref<80x128xi32, #tpu.memory_space<vmem>>, vector<1x16xi32>,
    %get3A_282 = arith.constant 10016 : index
    %get3A_283 = tpu.vector_load %arg7[%get3A_282] {strides = array<i32>} : memref<10240xi32, #tpu.memory_space<vmem>>, vector<16xi32>,
    %get3A_284 = vector.shape_cast %get3A_283 : vector<16xi32> to vector<16xi32>
    %get3A_285 = arith.constant 10016 : index
    %get3A_286 = tpu.vector_load %arg8[%get3A_285] {strides = array<i32>} : memref<10240xi32, #tpu.memory_space<vmem>>, vector<16xi32>,
    %get3A_287 = vector.shape_cast %get3A_286 : vector<16xi32> to vector<16xi32>
    %iota3A_288 = tpu.iota {dimensions = array<i32: 0>} : vector<16xi32>
    %add3A_289 = arith.constant 32 : i32
    %add3A_290 = vector.broadcast %add3A_289 : i32 to vector<16xi32>
    %add3A_291 = arith.addi %add3A_290, %iota3A_288 : vector<16xi32>
    %lt3A_292 = arith.constant 16 : i32
    %lt3A_293 = vector.broadcast %lt3A_292 : i32 to vector<16xi32>
    %lt3A_294 = arith.cmpi slt, %add3A_291, %lt3A_293 : vector<16xi32>
    %mul3A_295 = arith.constant 128 : i32
    %mul3A_296 = vector.broadcast %mul3A_295 : i32 to vector<16xi32>
    %mul3A_297 = arith.muli %get3A_284, %mul3A_296 : vector<16xi32>
    %add3A_298 = arith.addi %mul3A_297, %get3A_287 : vector<16xi32>
    %jit3A_299 = arith.constant 0 : i32
    %broadcast_in_dim3A_300 = vector.broadcast %jit3A_299 : i32 to vector<16xi32>
    %select_n3A_301 = arith.select %lt3A_294, %add3A_298, %broadcast_in_dim3A_300 : vector<16xi1>, vector<16xi32>
    %swap3A_302 = arith.constant 78 : i32
    %swap3A_303 = arith.index_cast %swap3A_302 : i32 to index
    %swap3A_304 = arith.constant 32 : index
    %swap3A_305 = tpu.vector_load %arg9[%swap3A_303, %swap3A_304] {strides = array<i32>} : memref<80x128xi32, #tpu.memory_space<vmem>>, vector<1x16xi32>,
    %swap3A_306 = vector.shape_cast %swap3A_305 : vector<1x16xi32> to vector<16xi32>
    %swap3A_307 = vector.shape_cast %select_n3A_301 : vector<16xi32> to vector<1x16xi32>
    tpu.vector_store %arg9[%swap3A_303, %swap3A_304], %swap3A_307 {strides = array<i32>} : memref<80x128xi32, #tpu.memory_space<vmem>>, vector<1x16xi32>,
    %get3A_308 = arith.constant 10032 : index
    %get3A_309 = tpu.vector_load %arg7[%get3A_308] {strides = array<i32>} : memref<10240xi32, #tpu.memory_space<vmem>>, vector<16xi32>,
    %get3A_310 = vector.shape_cast %get3A_309 : vector<16xi32> to vector<16xi32>
    %get3A_311 = arith.constant 10032 : index
    %get3A_312 = tpu.vector_load %arg8[%get3A_311] {strides = array<i32>} : memref<10240xi32, #tpu.memory_space<vmem>>, vector<16xi32>,
    %get3A_313 = vector.shape_cast %get3A_312 : vector<16xi32> to vector<16xi32>
    %iota3A_314 = tpu.iota {dimensions = array<i32: 0>} : vector<16xi32>
    %add3A_315 = arith.constant 48 : i32
    %add3A_316 = vector.broadcast %add3A_315 : i32 to vector<16xi32>
    %add3A_317 = arith.addi %add3A_316, %iota3A_314 : vector<16xi32>
    %lt3A_318 = arith.constant 16 : i32
    %lt3A_319 = vector.broadcast %lt3A_318 : i32 to vector<16xi32>
    %lt3A_320 = arith.cmpi slt, %add3A_317, %lt3A_319 : vector<16xi32>
    %mul3A_321 = arith.constant 128 : i32
    %mul3A_322 = vector.broadcast %mul3A_321 : i32 to vector<16xi32>
    %mul3A_323 = arith.muli %get3A_310, %mul3A_322 : vector<16xi32>
    %add3A_324 = arith.addi %mul3A_323, %get3A_313 : vector<16xi32>
    %jit3A_325 = arith.constant 0 : i32
    %broadcast_in_dim3A_326 = vector.broadcast %jit3A_325 : i32 to vector<16xi32>
    %select_n3A_327 = arith.select %lt3A_320, %add3A_324, %broadcast_in_dim3A_326 : vector<16xi1>, vector<16xi32>
    %swap3A_328 = arith.constant 78 : i32
    %swap3A_329 = arith.index_cast %swap3A_328 : i32 to index
    %swap3A_330 = arith.constant 48 : index
    %swap3A_331 = tpu.vector_load %arg9[%swap3A_329, %swap3A_330] {strides = array<i32>} : memref<80x128xi32, #tpu.memory_space<vmem>>, vector<1x16xi32>,
    %swap3A_332 = vector.shape_cast %swap3A_331 : vector<1x16xi32> to vector<16xi32>
    %swap3A_333 = vector.shape_cast %select_n3A_327 : vector<16xi32> to vector<1x16xi32>
    tpu.vector_store %arg9[%swap3A_329, %swap3A_330], %swap3A_333 {strides = array<i32>} : memref<80x128xi32, #tpu.memory_space<vmem>>, vector<1x16xi32>,
    %get3A_334 = arith.constant 10048 : index
    %get3A_335 = tpu.vector_load %arg7[%get3A_334] {strides = array<i32>} : memref<10240xi32, #tpu.memory_space<vmem>>, vector<16xi32>,
    %get3A_336 = vector.shape_cast %get3A_335 : vector<16xi32> to vector<16xi32>
    %get3A_337 = arith.constant 10048 : index
    %get3A_338 = tpu.vector_load %arg8[%get3A_337] {strides = array<i32>} : memref<10240xi32, #tpu.memory_space<vmem>>, vector<16xi32>,
    %get3A_339 = vector.shape_cast %get3A_338 : vector<16xi32> to vector<16xi32>
    %iota3A_340 = tpu.iota {dimensions = array<i32: 0>} : vector<16xi32>
    %add3A_341 = arith.constant 64 : i32
    %add3A_342 = vector.broadcast %add3A_341 : i32 to vector<16xi32>
    %add3A_343 = arith.addi %add3A_342, %iota3A_340 : vector<16xi32>
    %lt3A_344 = arith.constant 16 : i32
    %lt3A_345 = vector.broadcast %lt3A_344 : i32 to vector<16xi32>
    %lt3A_346 = arith.cmpi slt, %add3A_343, %lt3A_345 : vector<16xi32>
    %mul3A_347 = arith.constant 128 : i32
    %mul3A_348 = vector.broadcast %mul3A_347 : i32 to vector<16xi32>
    %mul3A_349 = arith.muli %get3A_336, %mul3A_348 : vector<16xi32>
    %add3A_350 = arith.addi %mul3A_349, %get3A_339 : vector<16xi32>
    %jit3A_351 = arith.constant 0 : i32
    %broadcast_in_dim3A_352 = vector.broadcast %jit3A_351 : i32 to vector<16xi32>
    %select_n3A_353 = arith.select %lt3A_346, %add3A_350, %broadcast_in_dim3A_352 : vector<16xi1>, vector<16xi32>
    %swap3A_354 = arith.constant 78 : i32
    %swap3A_355 = arith.index_cast %swap3A_354 : i32 to index
    %swap3A_356 = arith.constant 64 : index
    %swap3A_357 = tpu.vector_load %arg9[%swap3A_355, %swap3A_356] {strides = array<i32>} : memref<80x128xi32, #tpu.memory_space<vmem>>, vector<1x16xi32>,
    %swap3A_358 = vector.shape_cast %swap3A_357 : vector<1x16xi32> to vector<16xi32>
    %swap3A_359 = vector.shape_cast %select_n3A_353 : vector<16xi32> to vector<1x16xi32>
    tpu.vector_store %arg9[%swap3A_355, %swap3A_356], %swap3A_359 {strides = array<i32>} : memref<80x128xi32, #tpu.memory_space<vmem>>, vector<1x16xi32>,
    %get3A_360 = arith.constant 10064 : index
    %get3A_361 = tpu.vector_load %arg7[%get3A_360] {strides = array<i32>} : memref<10240xi32, #tpu.memory_space<vmem>>, vector<16xi32>,
    %get3A_362 = vector.shape_cast %get3A_361 : vector<16xi32> to vector<16xi32>
    %get3A_363 = arith.constant 10064 : index
    %get3A_364 = tpu.vector_load %arg8[%get3A_363] {strides = array<i32>} : memref<10240xi32, #tpu.memory_space<vmem>>, vector<16xi32>,
    %get3A_365 = vector.shape_cast %get3A_364 : vector<16xi32> to vector<16xi32>
    %iota3A_366 = tpu.iota {dimensions = array<i32: 0>} : vector<16xi32>
    %add3A_367 = arith.constant 80 : i32
    %add3A_368 = vector.broadcast %add3A_367 : i32 to vector<16xi32>
    %add3A_369 = arith.addi %add3A_368, %iota3A_366 : vector<16xi32>
    %lt3A_370 = arith.constant 16 : i32
    %lt3A_371 = vector.broadcast %lt3A_370 : i32 to vector<16xi32>
    %lt3A_372 = arith.cmpi slt, %add3A_369, %lt3A_371 : vector<16xi32>
    %mul3A_373 = arith.constant 128 : i32
    %mul3A_374 = vector.broadcast %mul3A_373 : i32 to vector<16xi32>
    %mul3A_375 = arith.muli %get3A_362, %mul3A_374 : vector<16xi32>
    %add3A_376 = arith.addi %mul3A_375, %get3A_365 : vector<16xi32>
    %jit3A_377 = arith.constant 0 : i32
    %broadcast_in_dim3A_378 = vector.broadcast %jit3A_377 : i32 to vector<16xi32>
    %select_n3A_379 = arith.select %lt3A_372, %add3A_376, %broadcast_in_dim3A_378 : vector<16xi1>, vector<16xi32>
    %swap3A_380 = arith.constant 78 : i32
    %swap3A_381 = arith.index_cast %swap3A_380 : i32 to index
    %swap3A_382 = arith.constant 80 : index
    %swap3A_383 = tpu.vector_load %arg9[%swap3A_381, %swap3A_382] {strides = array<i32>} : memref<80x128xi32, #tpu.memory_space<vmem>>, vector<1x16xi32>,
    %swap3A_384 = vector.shape_cast %swap3A_383 : vector<1x16xi32> to vector<16xi32>
    %swap3A_385 = vector.shape_cast %select_n3A_379 : vector<16xi32> to vector<1x16xi32>
    tpu.vector_store %arg9[%swap3A_381, %swap3A_382], %swap3A_385 {strides = array<i32>} : memref<80x128xi32, #tpu.memory_space<vmem>>, vector<1x16xi32>,
    %get3A_386 = arith.constant 10080 : index
    %get3A_387 = tpu.vector_load %arg7[%get3A_386] {strides = array<i32>} : memref<10240xi32, #tpu.memory_space<vmem>>, vector<16xi32>,
    %get3A_388 = vector.shape_cast %get3A_387 : vector<16xi32> to vector<16xi32>
    %get3A_389 = arith.constant 10080 : index
    %get3A_390 = tpu.vector_load %arg8[%get3A_389] {strides = array<i32>} : memref<10240xi32, #tpu.memory_space<vmem>>, vector<16xi32>,
    %get3A_391 = vector.shape_cast %get3A_390 : vector<16xi32> to vector<16xi32>
    %iota3A_392 = tpu.iota {dimensions = array<i32: 0>} : vector<16xi32>
    %add3A_393 = arith.constant 96 : i32
    %add3A_394 = vector.broadcast %add3A_393 : i32 to vector<16xi32>
    %add3A_395 = arith.addi %add3A_394, %iota3A_392 : vector<16xi32>
    %lt3A_396 = arith.constant 16 : i32
    %lt3A_397 = vector.broadcast %lt3A_396 : i32 to vector<16xi32>
    %lt3A_398 = arith.cmpi slt, %add3A_395, %lt3A_397 : vector<16xi32>
    %mul3A_399 = arith.constant 128 : i32
    %mul3A_400 = vector.broadcast %mul3A_399 : i32 to vector<16xi32>
    %mul3A_401 = arith.muli %get3A_388, %mul3A_400 : vector<16xi32>
    %add3A_402 = arith.addi %mul3A_401, %get3A_391 : vector<16xi32>
    %jit3A_403 = arith.constant 0 : i32
    %broadcast_in_dim3A_404 = vector.broadcast %jit3A_403 : i32 to vector<16xi32>
    %select_n3A_405 = arith.select %lt3A_398, %add3A_402, %broadcast_in_dim3A_404 : vector<16xi1>, vector<16xi32>
    %swap3A_406 = arith.constant 78 : i32
    %swap3A_407 = arith.index_cast %swap3A_406 : i32 to index
    %swap3A_408 = arith.constant 96 : index
    %swap3A_409 = tpu.vector_load %arg9[%swap3A_407, %swap3A_408] {strides = array<i32>} : memref<80x128xi32, #tpu.memory_space<vmem>>, vector<1x16xi32>,
    %swap3A_410 = vector.shape_cast %swap3A_409 : vector<1x16xi32> to vector<16xi32>
    %swap3A_411 = vector.shape_cast %select_n3A_405 : vector<16xi32> to vector<1x16xi32>
    tpu.vector_store %arg9[%swap3A_407, %swap3A_408], %swap3A_411 {strides = array<i32>} : memref<80x128xi32, #tpu.memory_space<vmem>>, vector<1x16xi32>,
    %get3A_412 = arith.constant 10096 : index
    %get3A_413 = tpu.vector_load %arg7[%get3A_412] {strides = array<i32>} : memref<10240xi32, #tpu.memory_space<vmem>>, vector<16xi32>,
    %get3A_414 = vector.shape_cast %get3A_413 : vector<16xi32> to vector<16xi32>
    %get3A_415 = arith.constant 10096 : index
    %get3A_416 = tpu.vector_load %arg8[%get3A_415] {strides = array<i32>} : memref<10240xi32, #tpu.memory_space<vmem>>, vector<16xi32>,
    %get3A_417 = vector.shape_cast %get3A_416 : vector<16xi32> to vector<16xi32>
    %iota3A_418 = tpu.iota {dimensions = array<i32: 0>} : vector<16xi32>
    %add3A_419 = arith.constant 112 : i32
    %add3A_420 = vector.broadcast %add3A_419 : i32 to vector<16xi32>
    %add3A_421 = arith.addi %add3A_420, %iota3A_418 : vector<16xi32>
    %lt3A_422 = arith.constant 16 : i32
    %lt3A_423 = vector.broadcast %lt3A_422 : i32 to vector<16xi32>
    %lt3A_424 = arith.cmpi slt, %add3A_421, %lt3A_423 : vector<16xi32>
    %mul3A_425 = arith.constant 128 : i32
    %mul3A_426 = vector.broadcast %mul3A_425 : i32 to vector<16xi32>
    %mul3A_427 = arith.muli %get3A_414, %mul3A_426 : vector<16xi32>
    %add3A_428 = arith.addi %mul3A_427, %get3A_417 : vector<16xi32>
    %jit3A_429 = arith.constant 0 : i32
    %broadcast_in_dim3A_430 = vector.broadcast %jit3A_429 : i32 to vector<16xi32>
    %select_n3A_431 = arith.select %lt3A_424, %add3A_428, %broadcast_in_dim3A_430 : vector<16xi1>, vector<16xi32>
    %swap3A_432 = arith.constant 78 : i32
    %swap3A_433 = arith.index_cast %swap3A_432 : i32 to index
    %swap3A_434 = arith.constant 112 : index
    %swap3A_435 = tpu.vector_load %arg9[%swap3A_433, %swap3A_434] {strides = array<i32>} : memref<80x128xi32, #tpu.memory_space<vmem>>, vector<1x16xi32>,
    %swap3A_436 = vector.shape_cast %swap3A_435 : vector<1x16xi32> to vector<16xi32>
    %swap3A_437 = vector.shape_cast %select_n3A_431 : vector<16xi32> to vector<1x16xi32>
    tpu.vector_store %arg9[%swap3A_433, %swap3A_434], %swap3A_437 {strides = array<i32>} : memref<80x128xi32, #tpu.memory_space<vmem>>, vector<1x16xi32>,
    %dma_wait3A_438 = tpu.memref_slice %arg13[%add3A_188] : memref<1280000xf32, #tpu.memory_space<vmem_shared>> -> memref<16000xf32, #tpu.memory_space<vmem_shared>>
    %dma_wait3A_439 = tpu.memref_slice %arg13[%add3A_188] : memref<1280000xf32, #tpu.memory_space<vmem_shared>> -> memref<16000xf32, #tpu.memory_space<vmem_shared>>
    tpu.wait_dma2 semaphore(%arg15 : memref<!tpu.dma_semaphore, #tpu.memory_space<semaphore_mem>>) src(%arg12 : memref<16000xf32, #tpu.memory_space<vmem>>) dst(%dma_wait3A_439 : memref<16000xf32, #tpu.memory_space<vmem_shared>>)
    %dma_wait3A_440 = tpu.memref_slice %arg13[%add3A_194] : memref<1280000xf32, #tpu.memory_space<vmem_shared>> -> memref<16000xf32, #tpu.memory_space<vmem_shared>>
    %dma_wait3A_441 = tpu.memref_slice %arg13[%add3A_194] : memref<1280000xf32, #tpu.memory_space<vmem_shared>> -> memref<16000xf32, #tpu.memory_space<vmem_shared>>
    tpu.wait_dma2 semaphore(%arg15 : memref<!tpu.dma_semaphore, #tpu.memory_space<semaphore_mem>>) src(%arg12 : memref<16000xf32, #tpu.memory_space<vmem>>) dst(%dma_wait3A_441 : memref<16000xf32, #tpu.memory_space<vmem_shared>>)
    %dma_wait3A_442 = tpu.memref_slice %arg13[%add3A_200] : memref<1280000xf32, #tpu.memory_space<vmem_shared>> -> memref<16000xf32, #tpu.memory_space<vmem_shared>>
    %dma_wait3A_443 = tpu.memref_slice %arg13[%add3A_200] : memref<1280000xf32, #tpu.memory_space<vmem_shared>> -> memref<16000xf32, #tpu.memory_space<vmem_shared>>
    tpu.wait_dma2 semaphore(%arg15 : memref<!tpu.dma_semaphore, #tpu.memory_space<semaphore_mem>>) src(%arg12 : memref<16000xf32, #tpu.memory_space<vmem>>) dst(%dma_wait3A_443 : memref<16000xf32, #tpu.memory_space<vmem_shared>>)
    %dma_wait3A_444 = tpu.memref_slice %arg13[%add3A_206] : memref<1280000xf32, #tpu.memory_space<vmem_shared>> -> memref<16000xf32, #tpu.memory_space<vmem_shared>>
    %dma_wait3A_445 = tpu.memref_slice %arg13[%add3A_206] : memref<1280000xf32, #tpu.memory_space<vmem_shared>> -> memref<16000xf32, #tpu.memory_space<vmem_shared>>
    tpu.wait_dma2 semaphore(%arg15 : memref<!tpu.dma_semaphore, #tpu.memory_space<semaphore_mem>>) src(%arg12 : memref<16000xf32, #tpu.memory_space<vmem>>) dst(%dma_wait3A_445 : memref<16000xf32, #tpu.memory_space<vmem_shared>>)
    %dma_wait3A_446 = tpu.memref_slice %arg13[%add3A_212] : memref<1280000xf32, #tpu.memory_space<vmem_shared>> -> memref<16000xf32, #tpu.memory_space<vmem_shared>>
    %dma_wait3A_447 = tpu.memref_slice %arg13[%add3A_212] : memref<1280000xf32, #tpu.memory_space<vmem_shared>> -> memref<16000xf32, #tpu.memory_space<vmem_shared>>
    tpu.wait_dma2 semaphore(%arg15 : memref<!tpu.dma_semaphore, #tpu.memory_space<semaphore_mem>>) src(%arg12 : memref<16000xf32, #tpu.memory_space<vmem>>) dst(%dma_wait3A_447 : memref<16000xf32, #tpu.memory_space<vmem_shared>>)
    %barrier3A = arith.constant 0 : index
    tpu.barrier barrier_id(%barrier3A)
    %scan3A_448 = arith.constant 0 : i32
    %scan3A_449 = arith.constant 6 : i32
    %scan3A_450 = arith.addi %scan3A_448, %scan3A_449 : i32
    %scan3A_451 = arith.constant 1 : i32
    scf.for %scan3A_786 = %scan3A_448 to %scan3A_450 step %scan3A_451  : i32 {
      %mul3A_787 = arith.constant 13 : i32
      %mul3A_788 = arith.muli %scan3A_786, %mul3A_787 : i32
      %add3A_789 = arith.constant 0 : i32
      %add3A_790 = arith.addi %mul3A_788, %add3A_789 : i32
      %dma_start3A_791 = arith.constant 0 : i32
      %dma_start3A_792 = tpu.memref_slice %arg9[%add3A_790, %dma_start3A_791] : memref<80x128xi32, #tpu.memory_space<vmem>> -> memref<1x128xi32, #tpu.memory_space<vmem>>
      %dma_start3A_793 = tpu.memref_squeeze %dma_start3A_792 : memref<1x128xi32, #tpu.memory_space<vmem>> -> memref<128xi32, #tpu.memory_space<vmem>>
      %dma_start3A_794 = arith.constant 0 : i32
      %dma_start3A_795 = tpu.memref_slice %arg13[%dma_start3A_794] : memref<1280000xf32, #tpu.memory_space<vmem_shared>> -> memref<1280000xf32, #tpu.memory_space<vmem_shared>>
      tpu.enqueue_indirect_dma source(%arg10 : memref<128xf32, #tpu.memory_space<vmem>>) target(%dma_start3A_795 : memref<1280000xf32, #tpu.memory_space<vmem_shared>>) offsets(%dma_start3A_793 : memref<128xi32, #tpu.memory_space<vmem>>) semaphore(%arg14 : memref<!tpu.dma_semaphore, #tpu.memory_space<semaphore_mem>>) {add = true}
      %add3A_796 = arith.constant 1 : i32
      %add3A_797 = arith.addi %mul3A_788, %add3A_796 : i32
      %dma_start3A_798 = arith.constant 0 : i32
      %dma_start3A_799 = tpu.memref_slice %arg9[%add3A_797, %dma_start3A_798] : memref<80x128xi32, #tpu.memory_space<vmem>> -> memref<1x128xi32, #tpu.memory_space<vmem>>
      %dma_start3A_800 = tpu.memref_squeeze %dma_start3A_799 : memref<1x128xi32, #tpu.memory_space<vmem>> -> memref<128xi32, #tpu.memory_space<vmem>>
      %dma_start3A_801 = arith.constant 0 : i32
      %dma_start3A_802 = tpu.memref_slice %arg13[%dma_start3A_801] : memref<1280000xf32, #tpu.memory_space<vmem_shared>> -> memref<1280000xf32, #tpu.memory_space<vmem_shared>>
      tpu.enqueue_indirect_dma source(%arg10 : memref<128xf32, #tpu.memory_space<vmem>>) target(%dma_start3A_802 : memref<1280000xf32, #tpu.memory_space<vmem_shared>>) offsets(%dma_start3A_800 : memref<128xi32, #tpu.memory_space<vmem>>) semaphore(%arg14 : memref<!tpu.dma_semaphore, #tpu.memory_space<semaphore_mem>>) {add = true}
      %add3A_803 = arith.constant 2 : i32
      %add3A_804 = arith.addi %mul3A_788, %add3A_803 : i32
      %dma_start3A_805 = arith.constant 0 : i32
      %dma_start3A_806 = tpu.memref_slice %arg9[%add3A_804, %dma_start3A_805] : memref<80x128xi32, #tpu.memory_space<vmem>> -> memref<1x128xi32, #tpu.memory_space<vmem>>
      %dma_start3A_807 = tpu.memref_squeeze %dma_start3A_806 : memref<1x128xi32, #tpu.memory_space<vmem>> -> memref<128xi32, #tpu.memory_space<vmem>>
      %dma_start3A_808 = arith.constant 0 : i32
      %dma_start3A_809 = tpu.memref_slice %arg13[%dma_start3A_808] : memref<1280000xf32, #tpu.memory_space<vmem_shared>> -> memref<1280000xf32, #tpu.memory_space<vmem_shared>>
      tpu.enqueue_indirect_dma source(%arg10 : memref<128xf32, #tpu.memory_space<vmem>>) target(%dma_start3A_809 : memref<1280000xf32, #tpu.memory_space<vmem_shared>>) offsets(%dma_start3A_807 : memref<128xi32, #tpu.memory_space<vmem>>) semaphore(%arg14 : memref<!tpu.dma_semaphore, #tpu.memory_space<semaphore_mem>>) {add = true}
      %add3A_810 = arith.constant 3 : i32
      %add3A_811 = arith.addi %mul3A_788, %add3A_810 : i32
      %dma_start3A_812 = arith.constant 0 : i32
      %dma_start3A_813 = tpu.memref_slice %arg9[%add3A_811, %dma_start3A_812] : memref<80x128xi32, #tpu.memory_space<vmem>> -> memref<1x128xi32, #tpu.memory_space<vmem>>
      %dma_start3A_814 = tpu.memref_squeeze %dma_start3A_813 : memref<1x128xi32, #tpu.memory_space<vmem>> -> memref<128xi32, #tpu.memory_space<vmem>>
      %dma_start3A_815 = arith.constant 0 : i32
      %dma_start3A_816 = tpu.memref_slice %arg13[%dma_start3A_815] : memref<1280000xf32, #tpu.memory_space<vmem_shared>> -> memref<1280000xf32, #tpu.memory_space<vmem_shared>>
      tpu.enqueue_indirect_dma source(%arg10 : memref<128xf32, #tpu.memory_space<vmem>>) target(%dma_start3A_816 : memref<1280000xf32, #tpu.memory_space<vmem_shared>>) offsets(%dma_start3A_814 : memref<128xi32, #tpu.memory_space<vmem>>) semaphore(%arg14 : memref<!tpu.dma_semaphore, #tpu.memory_space<semaphore_mem>>) {add = true}
      %add3A_817 = arith.constant 4 : i32
      %add3A_818 = arith.addi %mul3A_788, %add3A_817 : i32
      %dma_start3A_819 = arith.constant 0 : i32
      %dma_start3A_820 = tpu.memref_slice %arg9[%add3A_818, %dma_start3A_819] : memref<80x128xi32, #tpu.memory_space<vmem>> -> memref<1x128xi32, #tpu.memory_space<vmem>>
      %dma_start3A_821 = tpu.memref_squeeze %dma_start3A_820 : memref<1x128xi32, #tpu.memory_space<vmem>> -> memref<128xi32, #tpu.memory_space<vmem>>
      %dma_start3A_822 = arith.constant 0 : i32
      %dma_start3A_823 = tpu.memref_slice %arg13[%dma_start3A_822] : memref<1280000xf32, #tpu.memory_space<vmem_shared>> -> memref<1280000xf32, #tpu.memory_space<vmem_shared>>
      tpu.enqueue_indirect_dma source(%arg10 : memref<128xf32, #tpu.memory_space<vmem>>) target(%dma_start3A_823 : memref<1280000xf32, #tpu.memory_space<vmem_shared>>) offsets(%dma_start3A_821 : memref<128xi32, #tpu.memory_space<vmem>>) semaphore(%arg14 : memref<!tpu.dma_semaphore, #tpu.memory_space<semaphore_mem>>) {add = true}
      %add3A_824 = arith.constant 5 : i32
      %add3A_825 = arith.addi %mul3A_788, %add3A_824 : i32
      %dma_start3A_826 = arith.constant 0 : i32
      %dma_start3A_827 = tpu.memref_slice %arg9[%add3A_825, %dma_start3A_826] : memref<80x128xi32, #tpu.memory_space<vmem>> -> memref<1x128xi32, #tpu.memory_space<vmem>>
      %dma_start3A_828 = tpu.memref_squeeze %dma_start3A_827 : memref<1x128xi32, #tpu.memory_space<vmem>> -> memref<128xi32, #tpu.memory_space<vmem>>
      %dma_start3A_829 = arith.constant 0 : i32
      %dma_start3A_830 = tpu.memref_slice %arg13[%dma_start3A_829] : memref<1280000xf32, #tpu.memory_space<vmem_shared>> -> memref<1280000xf32, #tpu.memory_space<vmem_shared>>
      tpu.enqueue_indirect_dma source(%arg10 : memref<128xf32, #tpu.memory_space<vmem>>) target(%dma_start3A_830 : memref<1280000xf32, #tpu.memory_space<vmem_shared>>) offsets(%dma_start3A_828 : memref<128xi32, #tpu.memory_space<vmem>>) semaphore(%arg14 : memref<!tpu.dma_semaphore, #tpu.memory_space<semaphore_mem>>) {add = true}
      %add3A_831 = arith.constant 6 : i32
      %add3A_832 = arith.addi %mul3A_788, %add3A_831 : i32
      %dma_start3A_833 = arith.constant 0 : i32
      %dma_start3A_834 = tpu.memref_slice %arg9[%add3A_832, %dma_start3A_833] : memref<80x128xi32, #tpu.memory_space<vmem>> -> memref<1x128xi32, #tpu.memory_space<vmem>>
      %dma_start3A_835 = tpu.memref_squeeze %dma_start3A_834 : memref<1x128xi32, #tpu.memory_space<vmem>> -> memref<128xi32, #tpu.memory_space<vmem>>
      %dma_start3A_836 = arith.constant 0 : i32
      %dma_start3A_837 = tpu.memref_slice %arg13[%dma_start3A_836] : memref<1280000xf32, #tpu.memory_space<vmem_shared>> -> memref<1280000xf32, #tpu.memory_space<vmem_shared>>
      tpu.enqueue_indirect_dma source(%arg10 : memref<128xf32, #tpu.memory_space<vmem>>) target(%dma_start3A_837 : memref<1280000xf32, #tpu.memory_space<vmem_shared>>) offsets(%dma_start3A_835 : memref<128xi32, #tpu.memory_space<vmem>>) semaphore(%arg14 : memref<!tpu.dma_semaphore, #tpu.memory_space<semaphore_mem>>) {add = true}
      %add3A_838 = arith.constant 7 : i32
      %add3A_839 = arith.addi %mul3A_788, %add3A_838 : i32
      %dma_start3A_840 = arith.constant 0 : i32
      %dma_start3A_841 = tpu.memref_slice %arg9[%add3A_839, %dma_start3A_840] : memref<80x128xi32, #tpu.memory_space<vmem>> -> memref<1x128xi32, #tpu.memory_space<vmem>>
      %dma_start3A_842 = tpu.memref_squeeze %dma_start3A_841 : memref<1x128xi32, #tpu.memory_space<vmem>> -> memref<128xi32, #tpu.memory_space<vmem>>
      %dma_start3A_843 = arith.constant 0 : i32
      %dma_start3A_844 = tpu.memref_slice %arg13[%dma_start3A_843] : memref<1280000xf32, #tpu.memory_space<vmem_shared>> -> memref<1280000xf32, #tpu.memory_space<vmem_shared>>
      tpu.enqueue_indirect_dma source(%arg10 : memref<128xf32, #tpu.memory_space<vmem>>) target(%dma_start3A_844 : memref<1280000xf32, #tpu.memory_space<vmem_shared>>) offsets(%dma_start3A_842 : memref<128xi32, #tpu.memory_space<vmem>>) semaphore(%arg14 : memref<!tpu.dma_semaphore, #tpu.memory_space<semaphore_mem>>) {add = true}
      %add3A_845 = arith.constant 8 : i32
      %add3A_846 = arith.addi %mul3A_788, %add3A_845 : i32
      %dma_start3A_847 = arith.constant 0 : i32
      %dma_start3A_848 = tpu.memref_slice %arg9[%add3A_846, %dma_start3A_847] : memref<80x128xi32, #tpu.memory_space<vmem>> -> memref<1x128xi32, #tpu.memory_space<vmem>>
      %dma_start3A_849 = tpu.memref_squeeze %dma_start3A_848 : memref<1x128xi32, #tpu.memory_space<vmem>> -> memref<128xi32, #tpu.memory_space<vmem>>
      %dma_start3A_850 = arith.constant 0 : i32
      %dma_start3A_851 = tpu.memref_slice %arg13[%dma_start3A_850] : memref<1280000xf32, #tpu.memory_space<vmem_shared>> -> memref<1280000xf32, #tpu.memory_space<vmem_shared>>
      tpu.enqueue_indirect_dma source(%arg10 : memref<128xf32, #tpu.memory_space<vmem>>) target(%dma_start3A_851 : memref<1280000xf32, #tpu.memory_space<vmem_shared>>) offsets(%dma_start3A_849 : memref<128xi32, #tpu.memory_space<vmem>>) semaphore(%arg14 : memref<!tpu.dma_semaphore, #tpu.memory_space<semaphore_mem>>) {add = true}
      %add3A_852 = arith.constant 9 : i32
      %add3A_853 = arith.addi %mul3A_788, %add3A_852 : i32
      %dma_start3A_854 = arith.constant 0 : i32
      %dma_start3A_855 = tpu.memref_slice %arg9[%add3A_853, %dma_start3A_854] : memref<80x128xi32, #tpu.memory_space<vmem>> -> memref<1x128xi32, #tpu.memory_space<vmem>>
      %dma_start3A_856 = tpu.memref_squeeze %dma_start3A_855 : memref<1x128xi32, #tpu.memory_space<vmem>> -> memref<128xi32, #tpu.memory_space<vmem>>
      %dma_start3A_857 = arith.constant 0 : i32
      %dma_start3A_858 = tpu.memref_slice %arg13[%dma_start3A_857] : memref<1280000xf32, #tpu.memory_space<vmem_shared>> -> memref<1280000xf32, #tpu.memory_space<vmem_shared>>
      tpu.enqueue_indirect_dma source(%arg10 : memref<128xf32, #tpu.memory_space<vmem>>) target(%dma_start3A_858 : memref<1280000xf32, #tpu.memory_space<vmem_shared>>) offsets(%dma_start3A_856 : memref<128xi32, #tpu.memory_space<vmem>>) semaphore(%arg14 : memref<!tpu.dma_semaphore, #tpu.memory_space<semaphore_mem>>) {add = true}
      %add3A_859 = arith.constant 10 : i32
      %add3A_860 = arith.addi %mul3A_788, %add3A_859 : i32
      %dma_start3A_861 = arith.constant 0 : i32
      %dma_start3A_862 = tpu.memref_slice %arg9[%add3A_860, %dma_start3A_861] : memref<80x128xi32, #tpu.memory_space<vmem>> -> memref<1x128xi32, #tpu.memory_space<vmem>>
      %dma_start3A_863 = tpu.memref_squeeze %dma_start3A_862 : memref<1x128xi32, #tpu.memory_space<vmem>> -> memref<128xi32, #tpu.memory_space<vmem>>
      %dma_start3A_864 = arith.constant 0 : i32
      %dma_start3A_865 = tpu.memref_slice %arg13[%dma_start3A_864] : memref<1280000xf32, #tpu.memory_space<vmem_shared>> -> memref<1280000xf32, #tpu.memory_space<vmem_shared>>
      tpu.enqueue_indirect_dma source(%arg10 : memref<128xf32, #tpu.memory_space<vmem>>) target(%dma_start3A_865 : memref<1280000xf32, #tpu.memory_space<vmem_shared>>) offsets(%dma_start3A_863 : memref<128xi32, #tpu.memory_space<vmem>>) semaphore(%arg14 : memref<!tpu.dma_semaphore, #tpu.memory_space<semaphore_mem>>) {add = true}
      %add3A_866 = arith.constant 11 : i32
      %add3A_867 = arith.addi %mul3A_788, %add3A_866 : i32
      %dma_start3A_868 = arith.constant 0 : i32
      %dma_start3A_869 = tpu.memref_slice %arg9[%add3A_867, %dma_start3A_868] : memref<80x128xi32, #tpu.memory_space<vmem>> -> memref<1x128xi32, #tpu.memory_space<vmem>>
      %dma_start3A_870 = tpu.memref_squeeze %dma_start3A_869 : memref<1x128xi32, #tpu.memory_space<vmem>> -> memref<128xi32, #tpu.memory_space<vmem>>
      %dma_start3A_871 = arith.constant 0 : i32
      %dma_start3A_872 = tpu.memref_slice %arg13[%dma_start3A_871] : memref<1280000xf32, #tpu.memory_space<vmem_shared>> -> memref<1280000xf32, #tpu.memory_space<vmem_shared>>
      tpu.enqueue_indirect_dma source(%arg10 : memref<128xf32, #tpu.memory_space<vmem>>) target(%dma_start3A_872 : memref<1280000xf32, #tpu.memory_space<vmem_shared>>) offsets(%dma_start3A_870 : memref<128xi32, #tpu.memory_space<vmem>>) semaphore(%arg14 : memref<!tpu.dma_semaphore, #tpu.memory_space<semaphore_mem>>) {add = true}
      %add3A_873 = arith.constant 12 : i32
      %add3A_874 = arith.addi %mul3A_788, %add3A_873 : i32
      %dma_start3A_875 = arith.constant 0 : i32
      %dma_start3A_876 = tpu.memref_slice %arg9[%add3A_874, %dma_start3A_875] : memref<80x128xi32, #tpu.memory_space<vmem>> -> memref<1x128xi32, #tpu.memory_space<vmem>>
      %dma_start3A_877 = tpu.memref_squeeze %dma_start3A_876 : memref<1x128xi32, #tpu.memory_space<vmem>> -> memref<128xi32, #tpu.memory_space<vmem>>
      %dma_start3A_878 = arith.constant 0 : i32
      %dma_start3A_879 = tpu.memref_slice %arg13[%dma_start3A_878] : memref<1280000xf32, #tpu.memory_space<vmem_shared>> -> memref<1280000xf32, #tpu.memory_space<vmem_shared>>
      tpu.enqueue_indirect_dma source(%arg10 : memref<128xf32, #tpu.memory_space<vmem>>) target(%dma_start3A_879 : memref<1280000xf32, #tpu.memory_space<vmem_shared>>) offsets(%dma_start3A_877 : memref<128xi32, #tpu.memory_space<vmem>>) semaphore(%arg14 : memref<!tpu.dma_semaphore, #tpu.memory_space<semaphore_mem>>) {add = true}
      %dma_wait3A_880 = arith.constant 0 : i32
      %dma_wait3A_881 = tpu.memref_slice %arg9[%add3A_790, %dma_wait3A_880] : memref<80x128xi32, #tpu.memory_space<vmem>> -> memref<1x128xi32, #tpu.memory_space<vmem>>
      %dma_wait3A_882 = tpu.memref_squeeze %dma_wait3A_881 : memref<1x128xi32, #tpu.memory_space<vmem>> -> memref<128xi32, #tpu.memory_space<vmem>>
      %dma_wait3A_883 = arith.constant 0 : i32
      %dma_wait3A_884 = tpu.memref_slice %arg13[%dma_wait3A_883] : memref<1280000xf32, #tpu.memory_space<vmem_shared>> -> memref<1280000xf32, #tpu.memory_space<vmem_shared>>
      tpu.wait_indirect_dma semaphore(%arg14 : memref<!tpu.dma_semaphore, #tpu.memory_space<semaphore_mem>>) src(%arg10 : memref<128xf32, #tpu.memory_space<vmem>>) dst(%dma_wait3A_884 : memref<1280000xf32, #tpu.memory_space<vmem_shared>>)
      %dma_wait3A_885 = arith.constant 0 : i32
      %dma_wait3A_886 = tpu.memref_slice %arg9[%add3A_797, %dma_wait3A_885] : memref<80x128xi32, #tpu.memory_space<vmem>> -> memref<1x128xi32, #tpu.memory_space<vmem>>
      %dma_wait3A_887 = tpu.memref_squeeze %dma_wait3A_886 : memref<1x128xi32, #tpu.memory_space<vmem>> -> memref<128xi32, #tpu.memory_space<vmem>>
      %dma_wait3A_888 = arith.constant 0 : i32
      %dma_wait3A_889 = tpu.memref_slice %arg13[%dma_wait3A_888] : memref<1280000xf32, #tpu.memory_space<vmem_shared>> -> memref<1280000xf32, #tpu.memory_space<vmem_shared>>
      tpu.wait_indirect_dma semaphore(%arg14 : memref<!tpu.dma_semaphore, #tpu.memory_space<semaphore_mem>>) src(%arg10 : memref<128xf32, #tpu.memory_space<vmem>>) dst(%dma_wait3A_889 : memref<1280000xf32, #tpu.memory_space<vmem_shared>>)
      %dma_wait3A_890 = arith.constant 0 : i32
      %dma_wait3A_891 = tpu.memref_slice %arg9[%add3A_804, %dma_wait3A_890] : memref<80x128xi32, #tpu.memory_space<vmem>> -> memref<1x128xi32, #tpu.memory_space<vmem>>
      %dma_wait3A_892 = tpu.memref_squeeze %dma_wait3A_891 : memref<1x128xi32, #tpu.memory_space<vmem>> -> memref<128xi32, #tpu.memory_space<vmem>>
      %dma_wait3A_893 = arith.constant 0 : i32
      %dma_wait3A_894 = tpu.memref_slice %arg13[%dma_wait3A_893] : memref<1280000xf32, #tpu.memory_space<vmem_shared>> -> memref<1280000xf32, #tpu.memory_space<vmem_shared>>
      tpu.wait_indirect_dma semaphore(%arg14 : memref<!tpu.dma_semaphore, #tpu.memory_space<semaphore_mem>>) src(%arg10 : memref<128xf32, #tpu.memory_space<vmem>>) dst(%dma_wait3A_894 : memref<1280000xf32, #tpu.memory_space<vmem_shared>>)
      %dma_wait3A_895 = arith.constant 0 : i32
      %dma_wait3A_896 = tpu.memref_slice %arg9[%add3A_811, %dma_wait3A_895] : memref<80x128xi32, #tpu.memory_space<vmem>> -> memref<1x128xi32, #tpu.memory_space<vmem>>
      %dma_wait3A_897 = tpu.memref_squeeze %dma_wait3A_896 : memref<1x128xi32, #tpu.memory_space<vmem>> -> memref<128xi32, #tpu.memory_space<vmem>>
      %dma_wait3A_898 = arith.constant 0 : i32
      %dma_wait3A_899 = tpu.memref_slice %arg13[%dma_wait3A_898] : memref<1280000xf32, #tpu.memory_space<vmem_shared>> -> memref<1280000xf32, #tpu.memory_space<vmem_shared>>
      tpu.wait_indirect_dma semaphore(%arg14 : memref<!tpu.dma_semaphore, #tpu.memory_space<semaphore_mem>>) src(%arg10 : memref<128xf32, #tpu.memory_space<vmem>>) dst(%dma_wait3A_899 : memref<1280000xf32, #tpu.memory_space<vmem_shared>>)
      %dma_wait3A_900 = arith.constant 0 : i32
      %dma_wait3A_901 = tpu.memref_slice %arg9[%add3A_818, %dma_wait3A_900] : memref<80x128xi32, #tpu.memory_space<vmem>> -> memref<1x128xi32, #tpu.memory_space<vmem>>
      %dma_wait3A_902 = tpu.memref_squeeze %dma_wait3A_901 : memref<1x128xi32, #tpu.memory_space<vmem>> -> memref<128xi32, #tpu.memory_space<vmem>>
      %dma_wait3A_903 = arith.constant 0 : i32
      %dma_wait3A_904 = tpu.memref_slice %arg13[%dma_wait3A_903] : memref<1280000xf32, #tpu.memory_space<vmem_shared>> -> memref<1280000xf32, #tpu.memory_space<vmem_shared>>
      tpu.wait_indirect_dma semaphore(%arg14 : memref<!tpu.dma_semaphore, #tpu.memory_space<semaphore_mem>>) src(%arg10 : memref<128xf32, #tpu.memory_space<vmem>>) dst(%dma_wait3A_904 : memref<1280000xf32, #tpu.memory_space<vmem_shared>>)
      %dma_wait3A_905 = arith.constant 0 : i32
      %dma_wait3A_906 = tpu.memref_slice %arg9[%add3A_825, %dma_wait3A_905] : memref<80x128xi32, #tpu.memory_space<vmem>> -> memref<1x128xi32, #tpu.memory_space<vmem>>
      %dma_wait3A_907 = tpu.memref_squeeze %dma_wait3A_906 : memref<1x128xi32, #tpu.memory_space<vmem>> -> memref<128xi32, #tpu.memory_space<vmem>>
      %dma_wait3A_908 = arith.constant 0 : i32
      %dma_wait3A_909 = tpu.memref_slice %arg13[%dma_wait3A_908] : memref<1280000xf32, #tpu.memory_space<vmem_shared>> -> memref<1280000xf32, #tpu.memory_space<vmem_shared>>
      tpu.wait_indirect_dma semaphore(%arg14 : memref<!tpu.dma_semaphore, #tpu.memory_space<semaphore_mem>>) src(%arg10 : memref<128xf32, #tpu.memory_space<vmem>>) dst(%dma_wait3A_909 : memref<1280000xf32, #tpu.memory_space<vmem_shared>>)
      %dma_wait3A_910 = arith.constant 0 : i32
      %dma_wait3A_911 = tpu.memref_slice %arg9[%add3A_832, %dma_wait3A_910] : memref<80x128xi32, #tpu.memory_space<vmem>> -> memref<1x128xi32, #tpu.memory_space<vmem>>
      %dma_wait3A_912 = tpu.memref_squeeze %dma_wait3A_911 : memref<1x128xi32, #tpu.memory_space<vmem>> -> memref<128xi32, #tpu.memory_space<vmem>>
      %dma_wait3A_913 = arith.constant 0 : i32
      %dma_wait3A_914 = tpu.memref_slice %arg13[%dma_wait3A_913] : memref<1280000xf32, #tpu.memory_space<vmem_shared>> -> memref<1280000xf32, #tpu.memory_space<vmem_shared>>
      tpu.wait_indirect_dma semaphore(%arg14 : memref<!tpu.dma_semaphore, #tpu.memory_space<semaphore_mem>>) src(%arg10 : memref<128xf32, #tpu.memory_space<vmem>>) dst(%dma_wait3A_914 : memref<1280000xf32, #tpu.memory_space<vmem_shared>>)
      %dma_wait3A_915 = arith.constant 0 : i32
      %dma_wait3A_916 = tpu.memref_slice %arg9[%add3A_839, %dma_wait3A_915] : memref<80x128xi32, #tpu.memory_space<vmem>> -> memref<1x128xi32, #tpu.memory_space<vmem>>
      %dma_wait3A_917 = tpu.memref_squeeze %dma_wait3A_916 : memref<1x128xi32, #tpu.memory_space<vmem>> -> memref<128xi32, #tpu.memory_space<vmem>>
      %dma_wait3A_918 = arith.constant 0 : i32
      %dma_wait3A_919 = tpu.memref_slice %arg13[%dma_wait3A_918] : memref<1280000xf32, #tpu.memory_space<vmem_shared>> -> memref<1280000xf32, #tpu.memory_space<vmem_shared>>
      tpu.wait_indirect_dma semaphore(%arg14 : memref<!tpu.dma_semaphore, #tpu.memory_space<semaphore_mem>>) src(%arg10 : memref<128xf32, #tpu.memory_space<vmem>>) dst(%dma_wait3A_919 : memref<1280000xf32, #tpu.memory_space<vmem_shared>>)
      %dma_wait3A_920 = arith.constant 0 : i32
      %dma_wait3A_921 = tpu.memref_slice %arg9[%add3A_846, %dma_wait3A_920] : memref<80x128xi32, #tpu.memory_space<vmem>> -> memref<1x128xi32, #tpu.memory_space<vmem>>
      %dma_wait3A_922 = tpu.memref_squeeze %dma_wait3A_921 : memref<1x128xi32, #tpu.memory_space<vmem>> -> memref<128xi32, #tpu.memory_space<vmem>>
      %dma_wait3A_923 = arith.constant 0 : i32
      %dma_wait3A_924 = tpu.memref_slice %arg13[%dma_wait3A_923] : memref<1280000xf32, #tpu.memory_space<vmem_shared>> -> memref<1280000xf32, #tpu.memory_space<vmem_shared>>
      tpu.wait_indirect_dma semaphore(%arg14 : memref<!tpu.dma_semaphore, #tpu.memory_space<semaphore_mem>>) src(%arg10 : memref<128xf32, #tpu.memory_space<vmem>>) dst(%dma_wait3A_924 : memref<1280000xf32, #tpu.memory_space<vmem_shared>>)
      %dma_wait3A_925 = arith.constant 0 : i32
      %dma_wait3A_926 = tpu.memref_slice %arg9[%add3A_853, %dma_wait3A_925] : memref<80x128xi32, #tpu.memory_space<vmem>> -> memref<1x128xi32, #tpu.memory_space<vmem>>
      %dma_wait3A_927 = tpu.memref_squeeze %dma_wait3A_926 : memref<1x128xi32, #tpu.memory_space<vmem>> -> memref<128xi32, #tpu.memory_space<vmem>>
      %dma_wait3A_928 = arith.constant 0 : i32
      %dma_wait3A_929 = tpu.memref_slice %arg13[%dma_wait3A_928] : memref<1280000xf32, #tpu.memory_space<vmem_shared>> -> memref<1280000xf32, #tpu.memory_space<vmem_shared>>
      tpu.wait_indirect_dma semaphore(%arg14 : memref<!tpu.dma_semaphore, #tpu.memory_space<semaphore_mem>>) src(%arg10 : memref<128xf32, #tpu.memory_space<vmem>>) dst(%dma_wait3A_929 : memref<1280000xf32, #tpu.memory_space<vmem_shared>>)
      %dma_wait3A_930 = arith.constant 0 : i32
      %dma_wait3A_931 = tpu.memref_slice %arg9[%add3A_860, %dma_wait3A_930] : memref<80x128xi32, #tpu.memory_space<vmem>> -> memref<1x128xi32, #tpu.memory_space<vmem>>
      %dma_wait3A_932 = tpu.memref_squeeze %dma_wait3A_931 : memref<1x128xi32, #tpu.memory_space<vmem>> -> memref<128xi32, #tpu.memory_space<vmem>>
      %dma_wait3A_933 = arith.constant 0 : i32
      %dma_wait3A_934 = tpu.memref_slice %arg13[%dma_wait3A_933] : memref<1280000xf32, #tpu.memory_space<vmem_shared>> -> memref<1280000xf32, #tpu.memory_space<vmem_shared>>
      tpu.wait_indirect_dma semaphore(%arg14 : memref<!tpu.dma_semaphore, #tpu.memory_space<semaphore_mem>>) src(%arg10 : memref<128xf32, #tpu.memory_space<vmem>>) dst(%dma_wait3A_934 : memref<1280000xf32, #tpu.memory_space<vmem_shared>>)
      %dma_wait3A_935 = arith.constant 0 : i32
      %dma_wait3A_936 = tpu.memref_slice %arg9[%add3A_867, %dma_wait3A_935] : memref<80x128xi32, #tpu.memory_space<vmem>> -> memref<1x128xi32, #tpu.memory_space<vmem>>
      %dma_wait3A_937 = tpu.memref_squeeze %dma_wait3A_936 : memref<1x128xi32, #tpu.memory_space<vmem>> -> memref<128xi32, #tpu.memory_space<vmem>>
      %dma_wait3A_938 = arith.constant 0 : i32
      %dma_wait3A_939 = tpu.memref_slice %arg13[%dma_wait3A_938] : memref<1280000xf32, #tpu.memory_space<vmem_shared>> -> memref<1280000xf32, #tpu.memory_space<vmem_shared>>
      tpu.wait_indirect_dma semaphore(%arg14 : memref<!tpu.dma_semaphore, #tpu.memory_space<semaphore_mem>>) src(%arg10 : memref<128xf32, #tpu.memory_space<vmem>>) dst(%dma_wait3A_939 : memref<1280000xf32, #tpu.memory_space<vmem_shared>>)
      %dma_wait3A_940 = arith.constant 0 : i32
      %dma_wait3A_941 = tpu.memref_slice %arg9[%add3A_874, %dma_wait3A_940] : memref<80x128xi32, #tpu.memory_space<vmem>> -> memref<1x128xi32, #tpu.memory_space<vmem>>
      %dma_wait3A_942 = tpu.memref_squeeze %dma_wait3A_941 : memref<1x128xi32, #tpu.memory_space<vmem>> -> memref<128xi32, #tpu.memory_space<vmem>>
      %dma_wait3A_943 = arith.constant 0 : i32
      %dma_wait3A_944 = tpu.memref_slice %arg13[%dma_wait3A_943] : memref<1280000xf32, #tpu.memory_space<vmem_shared>> -> memref<1280000xf32, #tpu.memory_space<vmem_shared>>
      tpu.wait_indirect_dma semaphore(%arg14 : memref<!tpu.dma_semaphore, #tpu.memory_space<semaphore_mem>>) src(%arg10 : memref<128xf32, #tpu.memory_space<vmem>>) dst(%dma_wait3A_944 : memref<1280000xf32, #tpu.memory_space<vmem_shared>>)
    }
    %scan3A_452 = arith.constant 6 : i32
    %dma_start3A_453 = arith.constant 78 : i32
    %dma_start3A_454 = arith.constant 0 : i32
    %dma_start3A_455 = tpu.memref_slice %arg9[%dma_start3A_453, %dma_start3A_454] : memref<80x128xi32, #tpu.memory_space<vmem>> -> memref<1x128xi32, #tpu.memory_space<vmem>>
    %dma_start3A_456 = tpu.memref_squeeze %dma_start3A_455 : memref<1x128xi32, #tpu.memory_space<vmem>> -> memref<128xi32, #tpu.memory_space<vmem>>
    %dma_start3A_457 = arith.constant 0 : i32
    %dma_start3A_458 = tpu.memref_slice %arg13[%dma_start3A_457] : memref<1280000xf32, #tpu.memory_space<vmem_shared>> -> memref<1280000xf32, #tpu.memory_space<vmem_shared>>
    tpu.enqueue_indirect_dma source(%arg11 : memref<128xf32, #tpu.memory_space<vmem>>) target(%dma_start3A_458 : memref<1280000xf32, #tpu.memory_space<vmem_shared>>) offsets(%dma_start3A_456 : memref<128xi32, #tpu.memory_space<vmem>>) semaphore(%arg14 : memref<!tpu.dma_semaphore, #tpu.memory_space<semaphore_mem>>) {add = true}
    %dma_wait3A_459 = arith.constant 78 : i32
    %dma_wait3A_460 = arith.constant 0 : i32
    %dma_wait3A_461 = tpu.memref_slice %arg9[%dma_wait3A_459, %dma_wait3A_460] : memref<80x128xi32, #tpu.memory_space<vmem>> -> memref<1x128xi32, #tpu.memory_space<vmem>>
    %dma_wait3A_462 = tpu.memref_squeeze %dma_wait3A_461 : memref<1x128xi32, #tpu.memory_space<vmem>> -> memref<128xi32, #tpu.memory_space<vmem>>
    %dma_wait3A_463 = arith.constant 0 : i32
    %dma_wait3A_464 = tpu.memref_slice %arg13[%dma_wait3A_463] : memref<1280000xf32, #tpu.memory_space<vmem_shared>> -> memref<1280000xf32, #tpu.memory_space<vmem_shared>>
    tpu.wait_indirect_dma semaphore(%arg14 : memref<!tpu.dma_semaphore, #tpu.memory_space<semaphore_mem>>) src(%arg11 : memref<128xf32, #tpu.memory_space<vmem>>) dst(%dma_wait3A_464 : memref<1280000xf32, #tpu.memory_space<vmem_shared>>)
    %barrier3A_465 = arith.constant 0 : index
    tpu.barrier barrier_id(%barrier3A_465)
    %mul3A_466 = arith.constant 80000 : i32
    %mul3A_467 = arith.muli %arg1, %mul3A_466 : i32
    %add3A_468 = arith.constant 0 : i32
    %add3A_469 = arith.addi %mul3A_467, %add3A_468 : i32
    %dma_start3A_470 = arith.constant 0 : i32
    %dma_start3A_471 = tpu.memref_slice %arg12[%dma_start3A_470] : memref<16000xf32, #tpu.memory_space<vmem>> -> memref<8000xf32, #tpu.memory_space<vmem>>
    %dma_start3A_472 = tpu.memref_slice %arg13[%add3A_469] : memref<1280000xf32, #tpu.memory_space<vmem_shared>> -> memref<8000xf32, #tpu.memory_space<vmem_shared>>
    %dma_start3A_473 = arith.constant 0 : i32
    %dma_start3A_474 = tpu.memref_slice %arg12[%dma_start3A_473] : memref<16000xf32, #tpu.memory_space<vmem>> -> memref<8000xf32, #tpu.memory_space<vmem>>
    %dma_start3A_475 = tpu.memref_slice %arg13[%add3A_469] : memref<1280000xf32, #tpu.memory_space<vmem_shared>> -> memref<8000xf32, #tpu.memory_space<vmem_shared>>
    tpu.enqueue_dma source(%dma_start3A_475 : memref<8000xf32, #tpu.memory_space<vmem_shared>>) target(%dma_start3A_474 : memref<8000xf32, #tpu.memory_space<vmem>>) target_semaphore(%arg15 : memref<!tpu.dma_semaphore, #tpu.memory_space<semaphore_mem>>)
    %dma_wait3A_476 = arith.constant 0 : i32
    %dma_wait3A_477 = tpu.memref_slice %arg12[%dma_wait3A_476] : memref<16000xf32, #tpu.memory_space<vmem>> -> memref<8000xf32, #tpu.memory_space<vmem>>
    %dma_wait3A_478 = tpu.memref_slice %arg13[%add3A_469] : memref<1280000xf32, #tpu.memory_space<vmem_shared>> -> memref<8000xf32, #tpu.memory_space<vmem_shared>>
    %dma_wait3A_479 = arith.constant 0 : i32
    %dma_wait3A_480 = tpu.memref_slice %arg12[%dma_wait3A_479] : memref<16000xf32, #tpu.memory_space<vmem>> -> memref<8000xf32, #tpu.memory_space<vmem>>
    %dma_wait3A_481 = tpu.memref_slice %arg13[%add3A_469] : memref<1280000xf32, #tpu.memory_space<vmem_shared>> -> memref<8000xf32, #tpu.memory_space<vmem_shared>>
    tpu.wait_dma2 semaphore(%arg15 : memref<!tpu.dma_semaphore, #tpu.memory_space<semaphore_mem>>) src(%dma_wait3A_481 : memref<8000xf32, #tpu.memory_space<vmem_shared>>) dst(%dma_wait3A_480 : memref<8000xf32, #tpu.memory_space<vmem>>)
    %eq3A_482 = arith.constant 0 : i32
    %eq3A_483 = arith.cmpi eq, %arg0, %eq3A_482 : i32
    %convert_element_type3A_484 = arith.extui %eq3A_483 : i1 to i32
    %cond3A_485 = arith.constant 0 : i32
    %cond3A_486 = arith.cmpi ne, %convert_element_type3A_484, %cond3A_485 : i32
    scf.if %cond3A_486 {
      %dma_start3A_786 = arith.constant 0 : i32
      %dma_start3A_787 = tpu.memref_slice %arg12[%dma_start3A_786] : memref<16000xf32, #tpu.memory_space<vmem>> -> memref<8000xf32, #tpu.memory_space<vmem>>
      %dma_start3A_788 = tpu.memref_slice %arg5[%add3A_469] : memref<1280000xf32, #tpu.memory_space<hbm>> -> memref<8000xf32, #tpu.memory_space<hbm>>
      %dma_start3A_789 = tpu.memref_slice %arg5[%add3A_469] : memref<1280000xf32, #tpu.memory_space<hbm>> -> memref<8000xf32, #tpu.memory_space<hbm>>
      %dma_start3A_790 = arith.constant 0 : i32
      %dma_start3A_791 = tpu.memref_slice %arg12[%dma_start3A_790] : memref<16000xf32, #tpu.memory_space<vmem>> -> memref<8000xf32, #tpu.memory_space<vmem>>
      tpu.enqueue_dma source(%dma_start3A_791 : memref<8000xf32, #tpu.memory_space<vmem>>) target(%dma_start3A_789 : memref<8000xf32, #tpu.memory_space<hbm>>) target_semaphore(%arg14 : memref<!tpu.dma_semaphore, #tpu.memory_space<semaphore_mem>>)
    } else {
    }
    %ne3A_487 = arith.constant 0 : i32
    %ne3A_488 = arith.cmpi ne, %arg0, %ne3A_487 : i32
    %convert_element_type3A_489 = arith.extui %ne3A_488 : i1 to i32
    %cond3A_490 = arith.constant 0 : i32
    %cond3A_491 = arith.cmpi ne, %convert_element_type3A_489, %cond3A_490 : i32
    scf.if %cond3A_491 {
      %dma_start3A_786 = arith.constant 0 : i32
      %dma_start3A_787 = tpu.memref_slice %arg12[%dma_start3A_786] : memref<16000xf32, #tpu.memory_space<vmem>> -> memref<8000xf32, #tpu.memory_space<vmem>>
      %dma_start3A_788 = tpu.memref_slice %arg6[%add3A_469] : memref<1280000xf32, #tpu.memory_space<hbm>> -> memref<8000xf32, #tpu.memory_space<hbm>>
      %dma_start3A_789 = tpu.memref_slice %arg6[%add3A_469] : memref<1280000xf32, #tpu.memory_space<hbm>> -> memref<8000xf32, #tpu.memory_space<hbm>>
      %dma_start3A_790 = arith.constant 0 : i32
      %dma_start3A_791 = tpu.memref_slice %arg12[%dma_start3A_790] : memref<16000xf32, #tpu.memory_space<vmem>> -> memref<8000xf32, #tpu.memory_space<vmem>>
      tpu.enqueue_dma source(%dma_start3A_791 : memref<8000xf32, #tpu.memory_space<vmem>>) target(%dma_start3A_789 : memref<8000xf32, #tpu.memory_space<hbm>>) target_semaphore(%arg14 : memref<!tpu.dma_semaphore, #tpu.memory_space<semaphore_mem>>)
    } else {
    }
    %mul3A_492 = arith.constant 80000 : i32
    %mul3A_493 = arith.muli %arg1, %mul3A_492 : i32
    %add3A_494 = arith.constant 8000 : i32
    %add3A_495 = arith.addi %mul3A_493, %add3A_494 : i32
    %dma_start3A_496 = arith.constant 8000 : i32
    %dma_start3A_497 = tpu.memref_slice %arg12[%dma_start3A_496] : memref<16000xf32, #tpu.memory_space<vmem>> -> memref<8000xf32, #tpu.memory_space<vmem>>
    %dma_start3A_498 = tpu.memref_slice %arg13[%add3A_495] : memref<1280000xf32, #tpu.memory_space<vmem_shared>> -> memref<8000xf32, #tpu.memory_space<vmem_shared>>
    %dma_start3A_499 = arith.constant 8000 : i32
    %dma_start3A_500 = tpu.memref_slice %arg12[%dma_start3A_499] : memref<16000xf32, #tpu.memory_space<vmem>> -> memref<8000xf32, #tpu.memory_space<vmem>>
    %dma_start3A_501 = tpu.memref_slice %arg13[%add3A_495] : memref<1280000xf32, #tpu.memory_space<vmem_shared>> -> memref<8000xf32, #tpu.memory_space<vmem_shared>>
    tpu.enqueue_dma source(%dma_start3A_501 : memref<8000xf32, #tpu.memory_space<vmem_shared>>) target(%dma_start3A_500 : memref<8000xf32, #tpu.memory_space<vmem>>) target_semaphore(%arg15 : memref<!tpu.dma_semaphore, #tpu.memory_space<semaphore_mem>>)
    %dma_wait3A_502 = arith.constant 0 : i32
    %dma_wait3A_503 = tpu.memref_slice %arg12[%dma_wait3A_502] : memref<16000xf32, #tpu.memory_space<vmem>> -> memref<8000xf32, #tpu.memory_space<vmem>>
    %dma_wait3A_504 = tpu.memref_slice %arg5[%add3A_469] : memref<1280000xf32, #tpu.memory_space<hbm>> -> memref<8000xf32, #tpu.memory_space<hbm>>
    %dma_wait3A_505 = tpu.memref_slice %arg5[%add3A_469] : memref<1280000xf32, #tpu.memory_space<hbm>> -> memref<8000xf32, #tpu.memory_space<hbm>>
    %dma_wait3A_506 = arith.constant 0 : i32
    %dma_wait3A_507 = tpu.memref_slice %arg12[%dma_wait3A_506] : memref<16000xf32, #tpu.memory_space<vmem>> -> memref<8000xf32, #tpu.memory_space<vmem>>
    tpu.wait_dma2 semaphore(%arg14 : memref<!tpu.dma_semaphore, #tpu.memory_space<semaphore_mem>>) src(%dma_wait3A_507 : memref<8000xf32, #tpu.memory_space<vmem>>) dst(%dma_wait3A_505 : memref<8000xf32, #tpu.memory_space<hbm>>)
    %dma_wait3A_508 = arith.constant 8000 : i32
    %dma_wait3A_509 = tpu.memref_slice %arg12[%dma_wait3A_508] : memref<16000xf32, #tpu.memory_space<vmem>> -> memref<8000xf32, #tpu.memory_space<vmem>>
    %dma_wait3A_510 = tpu.memref_slice %arg13[%add3A_495] : memref<1280000xf32, #tpu.memory_space<vmem_shared>> -> memref<8000xf32, #tpu.memory_space<vmem_shared>>
    %dma_wait3A_511 = arith.constant 8000 : i32
    %dma_wait3A_512 = tpu.memref_slice %arg12[%dma_wait3A_511] : memref<16000xf32, #tpu.memory_space<vmem>> -> memref<8000xf32, #tpu.memory_space<vmem>>
    %dma_wait3A_513 = tpu.memref_slice %arg13[%add3A_495] : memref<1280000xf32, #tpu.memory_space<vmem_shared>> -> memref<8000xf32, #tpu.memory_space<vmem_shared>>
    tpu.wait_dma2 semaphore(%arg15 : memref<!tpu.dma_semaphore, #tpu.memory_space<semaphore_mem>>) src(%dma_wait3A_513 : memref<8000xf32, #tpu.memory_space<vmem_shared>>) dst(%dma_wait3A_512 : memref<8000xf32, #tpu.memory_space<vmem>>)
    %eq3A_514 = arith.constant 0 : i32
    %eq3A_515 = arith.cmpi eq, %arg0, %eq3A_514 : i32
    %convert_element_type3A_516 = arith.extui %eq3A_515 : i1 to i32
    %cond3A_517 = arith.constant 0 : i32
    %cond3A_518 = arith.cmpi ne, %convert_element_type3A_516, %cond3A_517 : i32
    scf.if %cond3A_518 {
      %dma_start3A_786 = arith.constant 8000 : i32
      %dma_start3A_787 = tpu.memref_slice %arg12[%dma_start3A_786] : memref<16000xf32, #tpu.memory_space<vmem>> -> memref<8000xf32, #tpu.memory_space<vmem>>
      %dma_start3A_788 = tpu.memref_slice %arg5[%add3A_495] : memref<1280000xf32, #tpu.memory_space<hbm>> -> memref<8000xf32, #tpu.memory_space<hbm>>
      %dma_start3A_789 = tpu.memref_slice %arg5[%add3A_495] : memref<1280000xf32, #tpu.memory_space<hbm>> -> memref<8000xf32, #tpu.memory_space<hbm>>
      %dma_start3A_790 = arith.constant 8000 : i32
      %dma_start3A_791 = tpu.memref_slice %arg12[%dma_start3A_790] : memref<16000xf32, #tpu.memory_space<vmem>> -> memref<8000xf32, #tpu.memory_space<vmem>>
      tpu.enqueue_dma source(%dma_start3A_791 : memref<8000xf32, #tpu.memory_space<vmem>>) target(%dma_start3A_789 : memref<8000xf32, #tpu.memory_space<hbm>>) target_semaphore(%arg14 : memref<!tpu.dma_semaphore, #tpu.memory_space<semaphore_mem>>)
    } else {
    }
    %ne3A_519 = arith.constant 0 : i32
    %ne3A_520 = arith.cmpi ne, %arg0, %ne3A_519 : i32
    %convert_element_type3A_521 = arith.extui %ne3A_520 : i1 to i32
    %cond3A_522 = arith.constant 0 : i32
    %cond3A_523 = arith.cmpi ne, %convert_element_type3A_521, %cond3A_522 : i32
    scf.if %cond3A_523 {
      %dma_start3A_786 = arith.constant 8000 : i32
      %dma_start3A_787 = tpu.memref_slice %arg12[%dma_start3A_786] : memref<16000xf32, #tpu.memory_space<vmem>> -> memref<8000xf32, #tpu.memory_space<vmem>>
      %dma_start3A_788 = tpu.memref_slice %arg6[%add3A_495] : memref<1280000xf32, #tpu.memory_space<hbm>> -> memref<8000xf32, #tpu.memory_space<hbm>>
      %dma_start3A_789 = tpu.memref_slice %arg6[%add3A_495] : memref<1280000xf32, #tpu.memory_space<hbm>> -> memref<8000xf32, #tpu.memory_space<hbm>>
      %dma_start3A_790 = arith.constant 8000 : i32
      %dma_start3A_791 = tpu.memref_slice %arg12[%dma_start3A_790] : memref<16000xf32, #tpu.memory_space<vmem>> -> memref<8000xf32, #tpu.memory_space<vmem>>
      tpu.enqueue_dma source(%dma_start3A_791 : memref<8000xf32, #tpu.memory_space<vmem>>) target(%dma_start3A_789 : memref<8000xf32, #tpu.memory_space<hbm>>) target_semaphore(%arg14 : memref<!tpu.dma_semaphore, #tpu.memory_space<semaphore_mem>>)
    } else {
    }
    %mul3A_524 = arith.constant 80000 : i32
    %mul3A_525 = arith.muli %arg1, %mul3A_524 : i32
    %add3A_526 = arith.constant 16000 : i32
    %add3A_527 = arith.addi %mul3A_525, %add3A_526 : i32
    %dma_start3A_528 = arith.constant 0 : i32
    %dma_start3A_529 = tpu.memref_slice %arg12[%dma_start3A_528] : memref<16000xf32, #tpu.memory_space<vmem>> -> memref<8000xf32, #tpu.memory_space<vmem>>
    %dma_start3A_530 = tpu.memref_slice %arg13[%add3A_527] : memref<1280000xf32, #tpu.memory_space<vmem_shared>> -> memref<8000xf32, #tpu.memory_space<vmem_shared>>
    %dma_start3A_531 = arith.constant 0 : i32
    %dma_start3A_532 = tpu.memref_slice %arg12[%dma_start3A_531] : memref<16000xf32, #tpu.memory_space<vmem>> -> memref<8000xf32, #tpu.memory_space<vmem>>
    %dma_start3A_533 = tpu.memref_slice %arg13[%add3A_527] : memref<1280000xf32, #tpu.memory_space<vmem_shared>> -> memref<8000xf32, #tpu.memory_space<vmem_shared>>
    tpu.enqueue_dma source(%dma_start3A_533 : memref<8000xf32, #tpu.memory_space<vmem_shared>>) target(%dma_start3A_532 : memref<8000xf32, #tpu.memory_space<vmem>>) target_semaphore(%arg15 : memref<!tpu.dma_semaphore, #tpu.memory_space<semaphore_mem>>)
    %dma_wait3A_534 = arith.constant 8000 : i32
    %dma_wait3A_535 = tpu.memref_slice %arg12[%dma_wait3A_534] : memref<16000xf32, #tpu.memory_space<vmem>> -> memref<8000xf32, #tpu.memory_space<vmem>>
    %dma_wait3A_536 = tpu.memref_slice %arg5[%add3A_495] : memref<1280000xf32, #tpu.memory_space<hbm>> -> memref<8000xf32, #tpu.memory_space<hbm>>
    %dma_wait3A_537 = tpu.memref_slice %arg5[%add3A_495] : memref<1280000xf32, #tpu.memory_space<hbm>> -> memref<8000xf32, #tpu.memory_space<hbm>>
    %dma_wait3A_538 = arith.constant 8000 : i32
    %dma_wait3A_539 = tpu.memref_slice %arg12[%dma_wait3A_538] : memref<16000xf32, #tpu.memory_space<vmem>> -> memref<8000xf32, #tpu.memory_space<vmem>>
    tpu.wait_dma2 semaphore(%arg14 : memref<!tpu.dma_semaphore, #tpu.memory_space<semaphore_mem>>) src(%dma_wait3A_539 : memref<8000xf32, #tpu.memory_space<vmem>>) dst(%dma_wait3A_537 : memref<8000xf32, #tpu.memory_space<hbm>>)
    %dma_wait3A_540 = arith.constant 0 : i32
    %dma_wait3A_541 = tpu.memref_slice %arg12[%dma_wait3A_540] : memref<16000xf32, #tpu.memory_space<vmem>> -> memref<8000xf32, #tpu.memory_space<vmem>>
    %dma_wait3A_542 = tpu.memref_slice %arg13[%add3A_527] : memref<1280000xf32, #tpu.memory_space<vmem_shared>> -> memref<8000xf32, #tpu.memory_space<vmem_shared>>
    %dma_wait3A_543 = arith.constant 0 : i32
    %dma_wait3A_544 = tpu.memref_slice %arg12[%dma_wait3A_543] : memref<16000xf32, #tpu.memory_space<vmem>> -> memref<8000xf32, #tpu.memory_space<vmem>>
    %dma_wait3A_545 = tpu.memref_slice %arg13[%add3A_527] : memref<1280000xf32, #tpu.memory_space<vmem_shared>> -> memref<8000xf32, #tpu.memory_space<vmem_shared>>
    tpu.wait_dma2 semaphore(%arg15 : memref<!tpu.dma_semaphore, #tpu.memory_space<semaphore_mem>>) src(%dma_wait3A_545 : memref<8000xf32, #tpu.memory_space<vmem_shared>>) dst(%dma_wait3A_544 : memref<8000xf32, #tpu.memory_space<vmem>>)
    %eq3A_546 = arith.constant 0 : i32
    %eq3A_547 = arith.cmpi eq, %arg0, %eq3A_546 : i32
    %convert_element_type3A_548 = arith.extui %eq3A_547 : i1 to i32
    %cond3A_549 = arith.constant 0 : i32
    %cond3A_550 = arith.cmpi ne, %convert_element_type3A_548, %cond3A_549 : i32
    scf.if %cond3A_550 {
      %dma_start3A_786 = arith.constant 0 : i32
      %dma_start3A_787 = tpu.memref_slice %arg12[%dma_start3A_786] : memref<16000xf32, #tpu.memory_space<vmem>> -> memref<8000xf32, #tpu.memory_space<vmem>>
      %dma_start3A_788 = tpu.memref_slice %arg5[%add3A_527] : memref<1280000xf32, #tpu.memory_space<hbm>> -> memref<8000xf32, #tpu.memory_space<hbm>>
      %dma_start3A_789 = tpu.memref_slice %arg5[%add3A_527] : memref<1280000xf32, #tpu.memory_space<hbm>> -> memref<8000xf32, #tpu.memory_space<hbm>>
      %dma_start3A_790 = arith.constant 0 : i32
      %dma_start3A_791 = tpu.memref_slice %arg12[%dma_start3A_790] : memref<16000xf32, #tpu.memory_space<vmem>> -> memref<8000xf32, #tpu.memory_space<vmem>>
      tpu.enqueue_dma source(%dma_start3A_791 : memref<8000xf32, #tpu.memory_space<vmem>>) target(%dma_start3A_789 : memref<8000xf32, #tpu.memory_space<hbm>>) target_semaphore(%arg14 : memref<!tpu.dma_semaphore, #tpu.memory_space<semaphore_mem>>)
    } else {
    }
    %ne3A_551 = arith.constant 0 : i32
    %ne3A_552 = arith.cmpi ne, %arg0, %ne3A_551 : i32
    %convert_element_type3A_553 = arith.extui %ne3A_552 : i1 to i32
    %cond3A_554 = arith.constant 0 : i32
    %cond3A_555 = arith.cmpi ne, %convert_element_type3A_553, %cond3A_554 : i32
    scf.if %cond3A_555 {
      %dma_start3A_786 = arith.constant 0 : i32
      %dma_start3A_787 = tpu.memref_slice %arg12[%dma_start3A_786] : memref<16000xf32, #tpu.memory_space<vmem>> -> memref<8000xf32, #tpu.memory_space<vmem>>
      %dma_start3A_788 = tpu.memref_slice %arg6[%add3A_527] : memref<1280000xf32, #tpu.memory_space<hbm>> -> memref<8000xf32, #tpu.memory_space<hbm>>
      %dma_start3A_789 = tpu.memref_slice %arg6[%add3A_527] : memref<1280000xf32, #tpu.memory_space<hbm>> -> memref<8000xf32, #tpu.memory_space<hbm>>
      %dma_start3A_790 = arith.constant 0 : i32
      %dma_start3A_791 = tpu.memref_slice %arg12[%dma_start3A_790] : memref<16000xf32, #tpu.memory_space<vmem>> -> memref<8000xf32, #tpu.memory_space<vmem>>
      tpu.enqueue_dma source(%dma_start3A_791 : memref<8000xf32, #tpu.memory_space<vmem>>) target(%dma_start3A_789 : memref<8000xf32, #tpu.memory_space<hbm>>) target_semaphore(%arg14 : memref<!tpu.dma_semaphore, #tpu.memory_space<semaphore_mem>>)
    } else {
    }
    %mul3A_556 = arith.constant 80000 : i32
    %mul3A_557 = arith.muli %arg1, %mul3A_556 : i32
    %add3A_558 = arith.constant 24000 : i32
    %add3A_559 = arith.addi %mul3A_557, %add3A_558 : i32
    %dma_start3A_560 = arith.constant 8000 : i32
    %dma_start3A_561 = tpu.memref_slice %arg12[%dma_start3A_560] : memref<16000xf32, #tpu.memory_space<vmem>> -> memref<8000xf32, #tpu.memory_space<vmem>>
    %dma_start3A_562 = tpu.memref_slice %arg13[%add3A_559] : memref<1280000xf32, #tpu.memory_space<vmem_shared>> -> memref<8000xf32, #tpu.memory_space<vmem_shared>>
    %dma_start3A_563 = arith.constant 8000 : i32
    %dma_start3A_564 = tpu.memref_slice %arg12[%dma_start3A_563] : memref<16000xf32, #tpu.memory_space<vmem>> -> memref<8000xf32, #tpu.memory_space<vmem>>
    %dma_start3A_565 = tpu.memref_slice %arg13[%add3A_559] : memref<1280000xf32, #tpu.memory_space<vmem_shared>> -> memref<8000xf32, #tpu.memory_space<vmem_shared>>
    tpu.enqueue_dma source(%dma_start3A_565 : memref<8000xf32, #tpu.memory_space<vmem_shared>>) target(%dma_start3A_564 : memref<8000xf32, #tpu.memory_space<vmem>>) target_semaphore(%arg15 : memref<!tpu.dma_semaphore, #tpu.memory_space<semaphore_mem>>)
    %dma_wait3A_566 = arith.constant 0 : i32
    %dma_wait3A_567 = tpu.memref_slice %arg12[%dma_wait3A_566] : memref<16000xf32, #tpu.memory_space<vmem>> -> memref<8000xf32, #tpu.memory_space<vmem>>
    %dma_wait3A_568 = tpu.memref_slice %arg5[%add3A_527] : memref<1280000xf32, #tpu.memory_space<hbm>> -> memref<8000xf32, #tpu.memory_space<hbm>>
    %dma_wait3A_569 = tpu.memref_slice %arg5[%add3A_527] : memref<1280000xf32, #tpu.memory_space<hbm>> -> memref<8000xf32, #tpu.memory_space<hbm>>
    %dma_wait3A_570 = arith.constant 0 : i32
    %dma_wait3A_571 = tpu.memref_slice %arg12[%dma_wait3A_570] : memref<16000xf32, #tpu.memory_space<vmem>> -> memref<8000xf32, #tpu.memory_space<vmem>>
    tpu.wait_dma2 semaphore(%arg14 : memref<!tpu.dma_semaphore, #tpu.memory_space<semaphore_mem>>) src(%dma_wait3A_571 : memref<8000xf32, #tpu.memory_space<vmem>>) dst(%dma_wait3A_569 : memref<8000xf32, #tpu.memory_space<hbm>>)
    %dma_wait3A_572 = arith.constant 8000 : i32
    %dma_wait3A_573 = tpu.memref_slice %arg12[%dma_wait3A_572] : memref<16000xf32, #tpu.memory_space<vmem>> -> memref<8000xf32, #tpu.memory_space<vmem>>
    %dma_wait3A_574 = tpu.memref_slice %arg13[%add3A_559] : memref<1280000xf32, #tpu.memory_space<vmem_shared>> -> memref<8000xf32, #tpu.memory_space<vmem_shared>>
    %dma_wait3A_575 = arith.constant 8000 : i32
    %dma_wait3A_576 = tpu.memref_slice %arg12[%dma_wait3A_575] : memref<16000xf32, #tpu.memory_space<vmem>> -> memref<8000xf32, #tpu.memory_space<vmem>>
    %dma_wait3A_577 = tpu.memref_slice %arg13[%add3A_559] : memref<1280000xf32, #tpu.memory_space<vmem_shared>> -> memref<8000xf32, #tpu.memory_space<vmem_shared>>
    tpu.wait_dma2 semaphore(%arg15 : memref<!tpu.dma_semaphore, #tpu.memory_space<semaphore_mem>>) src(%dma_wait3A_577 : memref<8000xf32, #tpu.memory_space<vmem_shared>>) dst(%dma_wait3A_576 : memref<8000xf32, #tpu.memory_space<vmem>>)
    %eq3A_578 = arith.constant 0 : i32
    %eq3A_579 = arith.cmpi eq, %arg0, %eq3A_578 : i32
    %convert_element_type3A_580 = arith.extui %eq3A_579 : i1 to i32
    %cond3A_581 = arith.constant 0 : i32
    %cond3A_582 = arith.cmpi ne, %convert_element_type3A_580, %cond3A_581 : i32
    scf.if %cond3A_582 {
      %dma_start3A_786 = arith.constant 8000 : i32
      %dma_start3A_787 = tpu.memref_slice %arg12[%dma_start3A_786] : memref<16000xf32, #tpu.memory_space<vmem>> -> memref<8000xf32, #tpu.memory_space<vmem>>
      %dma_start3A_788 = tpu.memref_slice %arg5[%add3A_559] : memref<1280000xf32, #tpu.memory_space<hbm>> -> memref<8000xf32, #tpu.memory_space<hbm>>
      %dma_start3A_789 = tpu.memref_slice %arg5[%add3A_559] : memref<1280000xf32, #tpu.memory_space<hbm>> -> memref<8000xf32, #tpu.memory_space<hbm>>
      %dma_start3A_790 = arith.constant 8000 : i32
      %dma_start3A_791 = tpu.memref_slice %arg12[%dma_start3A_790] : memref<16000xf32, #tpu.memory_space<vmem>> -> memref<8000xf32, #tpu.memory_space<vmem>>
      tpu.enqueue_dma source(%dma_start3A_791 : memref<8000xf32, #tpu.memory_space<vmem>>) target(%dma_start3A_789 : memref<8000xf32, #tpu.memory_space<hbm>>) target_semaphore(%arg14 : memref<!tpu.dma_semaphore, #tpu.memory_space<semaphore_mem>>)
    } else {
    }
    %ne3A_583 = arith.constant 0 : i32
    %ne3A_584 = arith.cmpi ne, %arg0, %ne3A_583 : i32
    %convert_element_type3A_585 = arith.extui %ne3A_584 : i1 to i32
    %cond3A_586 = arith.constant 0 : i32
    %cond3A_587 = arith.cmpi ne, %convert_element_type3A_585, %cond3A_586 : i32
    scf.if %cond3A_587 {
      %dma_start3A_786 = arith.constant 8000 : i32
      %dma_start3A_787 = tpu.memref_slice %arg12[%dma_start3A_786] : memref<16000xf32, #tpu.memory_space<vmem>> -> memref<8000xf32, #tpu.memory_space<vmem>>
      %dma_start3A_788 = tpu.memref_slice %arg6[%add3A_559] : memref<1280000xf32, #tpu.memory_space<hbm>> -> memref<8000xf32, #tpu.memory_space<hbm>>
      %dma_start3A_789 = tpu.memref_slice %arg6[%add3A_559] : memref<1280000xf32, #tpu.memory_space<hbm>> -> memref<8000xf32, #tpu.memory_space<hbm>>
      %dma_start3A_790 = arith.constant 8000 : i32
      %dma_start3A_791 = tpu.memref_slice %arg12[%dma_start3A_790] : memref<16000xf32, #tpu.memory_space<vmem>> -> memref<8000xf32, #tpu.memory_space<vmem>>
      tpu.enqueue_dma source(%dma_start3A_791 : memref<8000xf32, #tpu.memory_space<vmem>>) target(%dma_start3A_789 : memref<8000xf32, #tpu.memory_space<hbm>>) target_semaphore(%arg14 : memref<!tpu.dma_semaphore, #tpu.memory_space<semaphore_mem>>)
    } else {
    }
    %mul3A_588 = arith.constant 80000 : i32
    %mul3A_589 = arith.muli %arg1, %mul3A_588 : i32
    %add3A_590 = arith.constant 32000 : i32
    %add3A_591 = arith.addi %mul3A_589, %add3A_590 : i32
    %dma_start3A_592 = arith.constant 0 : i32
    %dma_start3A_593 = tpu.memref_slice %arg12[%dma_start3A_592] : memref<16000xf32, #tpu.memory_space<vmem>> -> memref<8000xf32, #tpu.memory_space<vmem>>
    %dma_start3A_594 = tpu.memref_slice %arg13[%add3A_591] : memref<1280000xf32, #tpu.memory_space<vmem_shared>> -> memref<8000xf32, #tpu.memory_space<vmem_shared>>
    %dma_start3A_595 = arith.constant 0 : i32
    %dma_start3A_596 = tpu.memref_slice %arg12[%dma_start3A_595] : memref<16000xf32, #tpu.memory_space<vmem>> -> memref<8000xf32, #tpu.memory_space<vmem>>
    %dma_start3A_597 = tpu.memref_slice %arg13[%add3A_591] : memref<1280000xf32, #tpu.memory_space<vmem_shared>> -> memref<8000xf32, #tpu.memory_space<vmem_shared>>
    tpu.enqueue_dma source(%dma_start3A_597 : memref<8000xf32, #tpu.memory_space<vmem_shared>>) target(%dma_start3A_596 : memref<8000xf32, #tpu.memory_space<vmem>>) target_semaphore(%arg15 : memref<!tpu.dma_semaphore, #tpu.memory_space<semaphore_mem>>)
    %dma_wait3A_598 = arith.constant 8000 : i32
    %dma_wait3A_599 = tpu.memref_slice %arg12[%dma_wait3A_598] : memref<16000xf32, #tpu.memory_space<vmem>> -> memref<8000xf32, #tpu.memory_space<vmem>>
    %dma_wait3A_600 = tpu.memref_slice %arg5[%add3A_559] : memref<1280000xf32, #tpu.memory_space<hbm>> -> memref<8000xf32, #tpu.memory_space<hbm>>
    %dma_wait3A_601 = tpu.memref_slice %arg5[%add3A_559] : memref<1280000xf32, #tpu.memory_space<hbm>> -> memref<8000xf32, #tpu.memory_space<hbm>>
    %dma_wait3A_602 = arith.constant 8000 : i32
    %dma_wait3A_603 = tpu.memref_slice %arg12[%dma_wait3A_602] : memref<16000xf32, #tpu.memory_space<vmem>> -> memref<8000xf32, #tpu.memory_space<vmem>>
    tpu.wait_dma2 semaphore(%arg14 : memref<!tpu.dma_semaphore, #tpu.memory_space<semaphore_mem>>) src(%dma_wait3A_603 : memref<8000xf32, #tpu.memory_space<vmem>>) dst(%dma_wait3A_601 : memref<8000xf32, #tpu.memory_space<hbm>>)
    %dma_wait3A_604 = arith.constant 0 : i32
    %dma_wait3A_605 = tpu.memref_slice %arg12[%dma_wait3A_604] : memref<16000xf32, #tpu.memory_space<vmem>> -> memref<8000xf32, #tpu.memory_space<vmem>>
    %dma_wait3A_606 = tpu.memref_slice %arg13[%add3A_591] : memref<1280000xf32, #tpu.memory_space<vmem_shared>> -> memref<8000xf32, #tpu.memory_space<vmem_shared>>
    %dma_wait3A_607 = arith.constant 0 : i32
    %dma_wait3A_608 = tpu.memref_slice %arg12[%dma_wait3A_607] : memref<16000xf32, #tpu.memory_space<vmem>> -> memref<8000xf32, #tpu.memory_space<vmem>>
    %dma_wait3A_609 = tpu.memref_slice %arg13[%add3A_591] : memref<1280000xf32, #tpu.memory_space<vmem_shared>> -> memref<8000xf32, #tpu.memory_space<vmem_shared>>
    tpu.wait_dma2 semaphore(%arg15 : memref<!tpu.dma_semaphore, #tpu.memory_space<semaphore_mem>>) src(%dma_wait3A_609 : memref<8000xf32, #tpu.memory_space<vmem_shared>>) dst(%dma_wait3A_608 : memref<8000xf32, #tpu.memory_space<vmem>>)
    %eq3A_610 = arith.constant 0 : i32
    %eq3A_611 = arith.cmpi eq, %arg0, %eq3A_610 : i32
    %convert_element_type3A_612 = arith.extui %eq3A_611 : i1 to i32
    %cond3A_613 = arith.constant 0 : i32
    %cond3A_614 = arith.cmpi ne, %convert_element_type3A_612, %cond3A_613 : i32
    scf.if %cond3A_614 {
      %dma_start3A_786 = arith.constant 0 : i32
      %dma_start3A_787 = tpu.memref_slice %arg12[%dma_start3A_786] : memref<16000xf32, #tpu.memory_space<vmem>> -> memref<8000xf32, #tpu.memory_space<vmem>>
      %dma_start3A_788 = tpu.memref_slice %arg5[%add3A_591] : memref<1280000xf32, #tpu.memory_space<hbm>> -> memref<8000xf32, #tpu.memory_space<hbm>>
      %dma_start3A_789 = tpu.memref_slice %arg5[%add3A_591] : memref<1280000xf32, #tpu.memory_space<hbm>> -> memref<8000xf32, #tpu.memory_space<hbm>>
      %dma_start3A_790 = arith.constant 0 : i32
      %dma_start3A_791 = tpu.memref_slice %arg12[%dma_start3A_790] : memref<16000xf32, #tpu.memory_space<vmem>> -> memref<8000xf32, #tpu.memory_space<vmem>>
      tpu.enqueue_dma source(%dma_start3A_791 : memref<8000xf32, #tpu.memory_space<vmem>>) target(%dma_start3A_789 : memref<8000xf32, #tpu.memory_space<hbm>>) target_semaphore(%arg14 : memref<!tpu.dma_semaphore, #tpu.memory_space<semaphore_mem>>)
    } else {
    }
    %ne3A_615 = arith.constant 0 : i32
    %ne3A_616 = arith.cmpi ne, %arg0, %ne3A_615 : i32
    %convert_element_type3A_617 = arith.extui %ne3A_616 : i1 to i32
    %cond3A_618 = arith.constant 0 : i32
    %cond3A_619 = arith.cmpi ne, %convert_element_type3A_617, %cond3A_618 : i32
    scf.if %cond3A_619 {
      %dma_start3A_786 = arith.constant 0 : i32
      %dma_start3A_787 = tpu.memref_slice %arg12[%dma_start3A_786] : memref<16000xf32, #tpu.memory_space<vmem>> -> memref<8000xf32, #tpu.memory_space<vmem>>
      %dma_start3A_788 = tpu.memref_slice %arg6[%add3A_591] : memref<1280000xf32, #tpu.memory_space<hbm>> -> memref<8000xf32, #tpu.memory_space<hbm>>
      %dma_start3A_789 = tpu.memref_slice %arg6[%add3A_591] : memref<1280000xf32, #tpu.memory_space<hbm>> -> memref<8000xf32, #tpu.memory_space<hbm>>
      %dma_start3A_790 = arith.constant 0 : i32
      %dma_start3A_791 = tpu.memref_slice %arg12[%dma_start3A_790] : memref<16000xf32, #tpu.memory_space<vmem>> -> memref<8000xf32, #tpu.memory_space<vmem>>
      tpu.enqueue_dma source(%dma_start3A_791 : memref<8000xf32, #tpu.memory_space<vmem>>) target(%dma_start3A_789 : memref<8000xf32, #tpu.memory_space<hbm>>) target_semaphore(%arg14 : memref<!tpu.dma_semaphore, #tpu.memory_space<semaphore_mem>>)
    } else {
    }
    %mul3A_620 = arith.constant 80000 : i32
    %mul3A_621 = arith.muli %arg1, %mul3A_620 : i32
    %add3A_622 = arith.constant 40000 : i32
    %add3A_623 = arith.addi %mul3A_621, %add3A_622 : i32
    %dma_start3A_624 = arith.constant 8000 : i32
    %dma_start3A_625 = tpu.memref_slice %arg12[%dma_start3A_624] : memref<16000xf32, #tpu.memory_space<vmem>> -> memref<8000xf32, #tpu.memory_space<vmem>>
    %dma_start3A_626 = tpu.memref_slice %arg13[%add3A_623] : memref<1280000xf32, #tpu.memory_space<vmem_shared>> -> memref<8000xf32, #tpu.memory_space<vmem_shared>>
    %dma_start3A_627 = arith.constant 8000 : i32
    %dma_start3A_628 = tpu.memref_slice %arg12[%dma_start3A_627] : memref<16000xf32, #tpu.memory_space<vmem>> -> memref<8000xf32, #tpu.memory_space<vmem>>
    %dma_start3A_629 = tpu.memref_slice %arg13[%add3A_623] : memref<1280000xf32, #tpu.memory_space<vmem_shared>> -> memref<8000xf32, #tpu.memory_space<vmem_shared>>
    tpu.enqueue_dma source(%dma_start3A_629 : memref<8000xf32, #tpu.memory_space<vmem_shared>>) target(%dma_start3A_628 : memref<8000xf32, #tpu.memory_space<vmem>>) target_semaphore(%arg15 : memref<!tpu.dma_semaphore, #tpu.memory_space<semaphore_mem>>)
    %dma_wait3A_630 = arith.constant 0 : i32
    %dma_wait3A_631 = tpu.memref_slice %arg12[%dma_wait3A_630] : memref<16000xf32, #tpu.memory_space<vmem>> -> memref<8000xf32, #tpu.memory_space<vmem>>
    %dma_wait3A_632 = tpu.memref_slice %arg5[%add3A_591] : memref<1280000xf32, #tpu.memory_space<hbm>> -> memref<8000xf32, #tpu.memory_space<hbm>>
    %dma_wait3A_633 = tpu.memref_slice %arg5[%add3A_591] : memref<1280000xf32, #tpu.memory_space<hbm>> -> memref<8000xf32, #tpu.memory_space<hbm>>
    %dma_wait3A_634 = arith.constant 0 : i32
    %dma_wait3A_635 = tpu.memref_slice %arg12[%dma_wait3A_634] : memref<16000xf32, #tpu.memory_space<vmem>> -> memref<8000xf32, #tpu.memory_space<vmem>>
    tpu.wait_dma2 semaphore(%arg14 : memref<!tpu.dma_semaphore, #tpu.memory_space<semaphore_mem>>) src(%dma_wait3A_635 : memref<8000xf32, #tpu.memory_space<vmem>>) dst(%dma_wait3A_633 : memref<8000xf32, #tpu.memory_space<hbm>>)
    %dma_wait3A_636 = arith.constant 8000 : i32
    %dma_wait3A_637 = tpu.memref_slice %arg12[%dma_wait3A_636] : memref<16000xf32, #tpu.memory_space<vmem>> -> memref<8000xf32, #tpu.memory_space<vmem>>
    %dma_wait3A_638 = tpu.memref_slice %arg13[%add3A_623] : memref<1280000xf32, #tpu.memory_space<vmem_shared>> -> memref<8000xf32, #tpu.memory_space<vmem_shared>>
    %dma_wait3A_639 = arith.constant 8000 : i32
    %dma_wait3A_640 = tpu.memref_slice %arg12[%dma_wait3A_639] : memref<16000xf32, #tpu.memory_space<vmem>> -> memref<8000xf32, #tpu.memory_space<vmem>>
    %dma_wait3A_641 = tpu.memref_slice %arg13[%add3A_623] : memref<1280000xf32, #tpu.memory_space<vmem_shared>> -> memref<8000xf32, #tpu.memory_space<vmem_shared>>
    tpu.wait_dma2 semaphore(%arg15 : memref<!tpu.dma_semaphore, #tpu.memory_space<semaphore_mem>>) src(%dma_wait3A_641 : memref<8000xf32, #tpu.memory_space<vmem_shared>>) dst(%dma_wait3A_640 : memref<8000xf32, #tpu.memory_space<vmem>>)
    %eq3A_642 = arith.constant 0 : i32
    %eq3A_643 = arith.cmpi eq, %arg0, %eq3A_642 : i32
    %convert_element_type3A_644 = arith.extui %eq3A_643 : i1 to i32
    %cond3A_645 = arith.constant 0 : i32
    %cond3A_646 = arith.cmpi ne, %convert_element_type3A_644, %cond3A_645 : i32
    scf.if %cond3A_646 {
      %dma_start3A_786 = arith.constant 8000 : i32
      %dma_start3A_787 = tpu.memref_slice %arg12[%dma_start3A_786] : memref<16000xf32, #tpu.memory_space<vmem>> -> memref<8000xf32, #tpu.memory_space<vmem>>
      %dma_start3A_788 = tpu.memref_slice %arg5[%add3A_623] : memref<1280000xf32, #tpu.memory_space<hbm>> -> memref<8000xf32, #tpu.memory_space<hbm>>
      %dma_start3A_789 = tpu.memref_slice %arg5[%add3A_623] : memref<1280000xf32, #tpu.memory_space<hbm>> -> memref<8000xf32, #tpu.memory_space<hbm>>
      %dma_start3A_790 = arith.constant 8000 : i32
      %dma_start3A_791 = tpu.memref_slice %arg12[%dma_start3A_790] : memref<16000xf32, #tpu.memory_space<vmem>> -> memref<8000xf32, #tpu.memory_space<vmem>>
      tpu.enqueue_dma source(%dma_start3A_791 : memref<8000xf32, #tpu.memory_space<vmem>>) target(%dma_start3A_789 : memref<8000xf32, #tpu.memory_space<hbm>>) target_semaphore(%arg14 : memref<!tpu.dma_semaphore, #tpu.memory_space<semaphore_mem>>)
    } else {
    }
    %ne3A_647 = arith.constant 0 : i32
    %ne3A_648 = arith.cmpi ne, %arg0, %ne3A_647 : i32
    %convert_element_type3A_649 = arith.extui %ne3A_648 : i1 to i32
    %cond3A_650 = arith.constant 0 : i32
    %cond3A_651 = arith.cmpi ne, %convert_element_type3A_649, %cond3A_650 : i32
    scf.if %cond3A_651 {
      %dma_start3A_786 = arith.constant 8000 : i32
      %dma_start3A_787 = tpu.memref_slice %arg12[%dma_start3A_786] : memref<16000xf32, #tpu.memory_space<vmem>> -> memref<8000xf32, #tpu.memory_space<vmem>>
      %dma_start3A_788 = tpu.memref_slice %arg6[%add3A_623] : memref<1280000xf32, #tpu.memory_space<hbm>> -> memref<8000xf32, #tpu.memory_space<hbm>>
      %dma_start3A_789 = tpu.memref_slice %arg6[%add3A_623] : memref<1280000xf32, #tpu.memory_space<hbm>> -> memref<8000xf32, #tpu.memory_space<hbm>>
      %dma_start3A_790 = arith.constant 8000 : i32
      %dma_start3A_791 = tpu.memref_slice %arg12[%dma_start3A_790] : memref<16000xf32, #tpu.memory_space<vmem>> -> memref<8000xf32, #tpu.memory_space<vmem>>
      tpu.enqueue_dma source(%dma_start3A_791 : memref<8000xf32, #tpu.memory_space<vmem>>) target(%dma_start3A_789 : memref<8000xf32, #tpu.memory_space<hbm>>) target_semaphore(%arg14 : memref<!tpu.dma_semaphore, #tpu.memory_space<semaphore_mem>>)
    } else {
    }
    %mul3A_652 = arith.constant 80000 : i32
    %mul3A_653 = arith.muli %arg1, %mul3A_652 : i32
    %add3A_654 = arith.constant 48000 : i32
    %add3A_655 = arith.addi %mul3A_653, %add3A_654 : i32
    %dma_start3A_656 = arith.constant 0 : i32
    %dma_start3A_657 = tpu.memref_slice %arg12[%dma_start3A_656] : memref<16000xf32, #tpu.memory_space<vmem>> -> memref<8000xf32, #tpu.memory_space<vmem>>
    %dma_start3A_658 = tpu.memref_slice %arg13[%add3A_655] : memref<1280000xf32, #tpu.memory_space<vmem_shared>> -> memref<8000xf32, #tpu.memory_space<vmem_shared>>
    %dma_start3A_659 = arith.constant 0 : i32
    %dma_start3A_660 = tpu.memref_slice %arg12[%dma_start3A_659] : memref<16000xf32, #tpu.memory_space<vmem>> -> memref<8000xf32, #tpu.memory_space<vmem>>
    %dma_start3A_661 = tpu.memref_slice %arg13[%add3A_655] : memref<1280000xf32, #tpu.memory_space<vmem_shared>> -> memref<8000xf32, #tpu.memory_space<vmem_shared>>
    tpu.enqueue_dma source(%dma_start3A_661 : memref<8000xf32, #tpu.memory_space<vmem_shared>>) target(%dma_start3A_660 : memref<8000xf32, #tpu.memory_space<vmem>>) target_semaphore(%arg15 : memref<!tpu.dma_semaphore, #tpu.memory_space<semaphore_mem>>)
    %dma_wait3A_662 = arith.constant 8000 : i32
    %dma_wait3A_663 = tpu.memref_slice %arg12[%dma_wait3A_662] : memref<16000xf32, #tpu.memory_space<vmem>> -> memref<8000xf32, #tpu.memory_space<vmem>>
    %dma_wait3A_664 = tpu.memref_slice %arg5[%add3A_623] : memref<1280000xf32, #tpu.memory_space<hbm>> -> memref<8000xf32, #tpu.memory_space<hbm>>
    %dma_wait3A_665 = tpu.memref_slice %arg5[%add3A_623] : memref<1280000xf32, #tpu.memory_space<hbm>> -> memref<8000xf32, #tpu.memory_space<hbm>>
    %dma_wait3A_666 = arith.constant 8000 : i32
    %dma_wait3A_667 = tpu.memref_slice %arg12[%dma_wait3A_666] : memref<16000xf32, #tpu.memory_space<vmem>> -> memref<8000xf32, #tpu.memory_space<vmem>>
    tpu.wait_dma2 semaphore(%arg14 : memref<!tpu.dma_semaphore, #tpu.memory_space<semaphore_mem>>) src(%dma_wait3A_667 : memref<8000xf32, #tpu.memory_space<vmem>>) dst(%dma_wait3A_665 : memref<8000xf32, #tpu.memory_space<hbm>>)
    %dma_wait3A_668 = arith.constant 0 : i32
    %dma_wait3A_669 = tpu.memref_slice %arg12[%dma_wait3A_668] : memref<16000xf32, #tpu.memory_space<vmem>> -> memref<8000xf32, #tpu.memory_space<vmem>>
    %dma_wait3A_670 = tpu.memref_slice %arg13[%add3A_655] : memref<1280000xf32, #tpu.memory_space<vmem_shared>> -> memref<8000xf32, #tpu.memory_space<vmem_shared>>
    %dma_wait3A_671 = arith.constant 0 : i32
    %dma_wait3A_672 = tpu.memref_slice %arg12[%dma_wait3A_671] : memref<16000xf32, #tpu.memory_space<vmem>> -> memref<8000xf32, #tpu.memory_space<vmem>>
    %dma_wait3A_673 = tpu.memref_slice %arg13[%add3A_655] : memref<1280000xf32, #tpu.memory_space<vmem_shared>> -> memref<8000xf32, #tpu.memory_space<vmem_shared>>
    tpu.wait_dma2 semaphore(%arg15 : memref<!tpu.dma_semaphore, #tpu.memory_space<semaphore_mem>>) src(%dma_wait3A_673 : memref<8000xf32, #tpu.memory_space<vmem_shared>>) dst(%dma_wait3A_672 : memref<8000xf32, #tpu.memory_space<vmem>>)
    %eq3A_674 = arith.constant 0 : i32
    %eq3A_675 = arith.cmpi eq, %arg0, %eq3A_674 : i32
    %convert_element_type3A_676 = arith.extui %eq3A_675 : i1 to i32
    %cond3A_677 = arith.constant 0 : i32
    %cond3A_678 = arith.cmpi ne, %convert_element_type3A_676, %cond3A_677 : i32
    scf.if %cond3A_678 {
      %dma_start3A_786 = arith.constant 0 : i32
      %dma_start3A_787 = tpu.memref_slice %arg12[%dma_start3A_786] : memref<16000xf32, #tpu.memory_space<vmem>> -> memref<8000xf32, #tpu.memory_space<vmem>>
      %dma_start3A_788 = tpu.memref_slice %arg5[%add3A_655] : memref<1280000xf32, #tpu.memory_space<hbm>> -> memref<8000xf32, #tpu.memory_space<hbm>>
      %dma_start3A_789 = tpu.memref_slice %arg5[%add3A_655] : memref<1280000xf32, #tpu.memory_space<hbm>> -> memref<8000xf32, #tpu.memory_space<hbm>>
      %dma_start3A_790 = arith.constant 0 : i32
      %dma_start3A_791 = tpu.memref_slice %arg12[%dma_start3A_790] : memref<16000xf32, #tpu.memory_space<vmem>> -> memref<8000xf32, #tpu.memory_space<vmem>>
      tpu.enqueue_dma source(%dma_start3A_791 : memref<8000xf32, #tpu.memory_space<vmem>>) target(%dma_start3A_789 : memref<8000xf32, #tpu.memory_space<hbm>>) target_semaphore(%arg14 : memref<!tpu.dma_semaphore, #tpu.memory_space<semaphore_mem>>)
    } else {
    }
    %ne3A_679 = arith.constant 0 : i32
    %ne3A_680 = arith.cmpi ne, %arg0, %ne3A_679 : i32
    %convert_element_type3A_681 = arith.extui %ne3A_680 : i1 to i32
    %cond3A_682 = arith.constant 0 : i32
    %cond3A_683 = arith.cmpi ne, %convert_element_type3A_681, %cond3A_682 : i32
    scf.if %cond3A_683 {
      %dma_start3A_786 = arith.constant 0 : i32
      %dma_start3A_787 = tpu.memref_slice %arg12[%dma_start3A_786] : memref<16000xf32, #tpu.memory_space<vmem>> -> memref<8000xf32, #tpu.memory_space<vmem>>
      %dma_start3A_788 = tpu.memref_slice %arg6[%add3A_655] : memref<1280000xf32, #tpu.memory_space<hbm>> -> memref<8000xf32, #tpu.memory_space<hbm>>
      %dma_start3A_789 = tpu.memref_slice %arg6[%add3A_655] : memref<1280000xf32, #tpu.memory_space<hbm>> -> memref<8000xf32, #tpu.memory_space<hbm>>
      %dma_start3A_790 = arith.constant 0 : i32
      %dma_start3A_791 = tpu.memref_slice %arg12[%dma_start3A_790] : memref<16000xf32, #tpu.memory_space<vmem>> -> memref<8000xf32, #tpu.memory_space<vmem>>
      tpu.enqueue_dma source(%dma_start3A_791 : memref<8000xf32, #tpu.memory_space<vmem>>) target(%dma_start3A_789 : memref<8000xf32, #tpu.memory_space<hbm>>) target_semaphore(%arg14 : memref<!tpu.dma_semaphore, #tpu.memory_space<semaphore_mem>>)
    } else {
    }
    %mul3A_684 = arith.constant 80000 : i32
    %mul3A_685 = arith.muli %arg1, %mul3A_684 : i32
    %add3A_686 = arith.constant 56000 : i32
    %add3A_687 = arith.addi %mul3A_685, %add3A_686 : i32
    %dma_start3A_688 = arith.constant 8000 : i32
    %dma_start3A_689 = tpu.memref_slice %arg12[%dma_start3A_688] : memref<16000xf32, #tpu.memory_space<vmem>> -> memref<8000xf32, #tpu.memory_space<vmem>>
    %dma_start3A_690 = tpu.memref_slice %arg13[%add3A_687] : memref<1280000xf32, #tpu.memory_space<vmem_shared>> -> memref<8000xf32, #tpu.memory_space<vmem_shared>>
    %dma_start3A_691 = arith.constant 8000 : i32
    %dma_start3A_692 = tpu.memref_slice %arg12[%dma_start3A_691] : memref<16000xf32, #tpu.memory_space<vmem>> -> memref<8000xf32, #tpu.memory_space<vmem>>
    %dma_start3A_693 = tpu.memref_slice %arg13[%add3A_687] : memref<1280000xf32, #tpu.memory_space<vmem_shared>> -> memref<8000xf32, #tpu.memory_space<vmem_shared>>
    tpu.enqueue_dma source(%dma_start3A_693 : memref<8000xf32, #tpu.memory_space<vmem_shared>>) target(%dma_start3A_692 : memref<8000xf32, #tpu.memory_space<vmem>>) target_semaphore(%arg15 : memref<!tpu.dma_semaphore, #tpu.memory_space<semaphore_mem>>)
    %dma_wait3A_694 = arith.constant 0 : i32
    %dma_wait3A_695 = tpu.memref_slice %arg12[%dma_wait3A_694] : memref<16000xf32, #tpu.memory_space<vmem>> -> memref<8000xf32, #tpu.memory_space<vmem>>
    %dma_wait3A_696 = tpu.memref_slice %arg5[%add3A_655] : memref<1280000xf32, #tpu.memory_space<hbm>> -> memref<8000xf32, #tpu.memory_space<hbm>>
    %dma_wait3A_697 = tpu.memref_slice %arg5[%add3A_655] : memref<1280000xf32, #tpu.memory_space<hbm>> -> memref<8000xf32, #tpu.memory_space<hbm>>
    %dma_wait3A_698 = arith.constant 0 : i32
    %dma_wait3A_699 = tpu.memref_slice %arg12[%dma_wait3A_698] : memref<16000xf32, #tpu.memory_space<vmem>> -> memref<8000xf32, #tpu.memory_space<vmem>>
    tpu.wait_dma2 semaphore(%arg14 : memref<!tpu.dma_semaphore, #tpu.memory_space<semaphore_mem>>) src(%dma_wait3A_699 : memref<8000xf32, #tpu.memory_space<vmem>>) dst(%dma_wait3A_697 : memref<8000xf32, #tpu.memory_space<hbm>>)
    %dma_wait3A_700 = arith.constant 8000 : i32
    %dma_wait3A_701 = tpu.memref_slice %arg12[%dma_wait3A_700] : memref<16000xf32, #tpu.memory_space<vmem>> -> memref<8000xf32, #tpu.memory_space<vmem>>
    %dma_wait3A_702 = tpu.memref_slice %arg13[%add3A_687] : memref<1280000xf32, #tpu.memory_space<vmem_shared>> -> memref<8000xf32, #tpu.memory_space<vmem_shared>>
    %dma_wait3A_703 = arith.constant 8000 : i32
    %dma_wait3A_704 = tpu.memref_slice %arg12[%dma_wait3A_703] : memref<16000xf32, #tpu.memory_space<vmem>> -> memref<8000xf32, #tpu.memory_space<vmem>>
    %dma_wait3A_705 = tpu.memref_slice %arg13[%add3A_687] : memref<1280000xf32, #tpu.memory_space<vmem_shared>> -> memref<8000xf32, #tpu.memory_space<vmem_shared>>
    tpu.wait_dma2 semaphore(%arg15 : memref<!tpu.dma_semaphore, #tpu.memory_space<semaphore_mem>>) src(%dma_wait3A_705 : memref<8000xf32, #tpu.memory_space<vmem_shared>>) dst(%dma_wait3A_704 : memref<8000xf32, #tpu.memory_space<vmem>>)
    %eq3A_706 = arith.constant 0 : i32
    %eq3A_707 = arith.cmpi eq, %arg0, %eq3A_706 : i32
    %convert_element_type3A_708 = arith.extui %eq3A_707 : i1 to i32
    %cond3A_709 = arith.constant 0 : i32
    %cond3A_710 = arith.cmpi ne, %convert_element_type3A_708, %cond3A_709 : i32
    scf.if %cond3A_710 {
      %dma_start3A_786 = arith.constant 8000 : i32
      %dma_start3A_787 = tpu.memref_slice %arg12[%dma_start3A_786] : memref<16000xf32, #tpu.memory_space<vmem>> -> memref<8000xf32, #tpu.memory_space<vmem>>
      %dma_start3A_788 = tpu.memref_slice %arg5[%add3A_687] : memref<1280000xf32, #tpu.memory_space<hbm>> -> memref<8000xf32, #tpu.memory_space<hbm>>
      %dma_start3A_789 = tpu.memref_slice %arg5[%add3A_687] : memref<1280000xf32, #tpu.memory_space<hbm>> -> memref<8000xf32, #tpu.memory_space<hbm>>
      %dma_start3A_790 = arith.constant 8000 : i32
      %dma_start3A_791 = tpu.memref_slice %arg12[%dma_start3A_790] : memref<16000xf32, #tpu.memory_space<vmem>> -> memref<8000xf32, #tpu.memory_space<vmem>>
      tpu.enqueue_dma source(%dma_start3A_791 : memref<8000xf32, #tpu.memory_space<vmem>>) target(%dma_start3A_789 : memref<8000xf32, #tpu.memory_space<hbm>>) target_semaphore(%arg14 : memref<!tpu.dma_semaphore, #tpu.memory_space<semaphore_mem>>)
    } else {
    }
    %ne3A_711 = arith.constant 0 : i32
    %ne3A_712 = arith.cmpi ne, %arg0, %ne3A_711 : i32
    %convert_element_type3A_713 = arith.extui %ne3A_712 : i1 to i32
    %cond3A_714 = arith.constant 0 : i32
    %cond3A_715 = arith.cmpi ne, %convert_element_type3A_713, %cond3A_714 : i32
    scf.if %cond3A_715 {
      %dma_start3A_786 = arith.constant 8000 : i32
      %dma_start3A_787 = tpu.memref_slice %arg12[%dma_start3A_786] : memref<16000xf32, #tpu.memory_space<vmem>> -> memref<8000xf32, #tpu.memory_space<vmem>>
      %dma_start3A_788 = tpu.memref_slice %arg6[%add3A_687] : memref<1280000xf32, #tpu.memory_space<hbm>> -> memref<8000xf32, #tpu.memory_space<hbm>>
      %dma_start3A_789 = tpu.memref_slice %arg6[%add3A_687] : memref<1280000xf32, #tpu.memory_space<hbm>> -> memref<8000xf32, #tpu.memory_space<hbm>>
      %dma_start3A_790 = arith.constant 8000 : i32
      %dma_start3A_791 = tpu.memref_slice %arg12[%dma_start3A_790] : memref<16000xf32, #tpu.memory_space<vmem>> -> memref<8000xf32, #tpu.memory_space<vmem>>
      tpu.enqueue_dma source(%dma_start3A_791 : memref<8000xf32, #tpu.memory_space<vmem>>) target(%dma_start3A_789 : memref<8000xf32, #tpu.memory_space<hbm>>) target_semaphore(%arg14 : memref<!tpu.dma_semaphore, #tpu.memory_space<semaphore_mem>>)
    } else {
    }
    %mul3A_716 = arith.constant 80000 : i32
    %mul3A_717 = arith.muli %arg1, %mul3A_716 : i32
    %add3A_718 = arith.constant 64000 : i32
    %add3A_719 = arith.addi %mul3A_717, %add3A_718 : i32
    %dma_start3A_720 = arith.constant 0 : i32
    %dma_start3A_721 = tpu.memref_slice %arg12[%dma_start3A_720] : memref<16000xf32, #tpu.memory_space<vmem>> -> memref<8000xf32, #tpu.memory_space<vmem>>
    %dma_start3A_722 = tpu.memref_slice %arg13[%add3A_719] : memref<1280000xf32, #tpu.memory_space<vmem_shared>> -> memref<8000xf32, #tpu.memory_space<vmem_shared>>
    %dma_start3A_723 = arith.constant 0 : i32
    %dma_start3A_724 = tpu.memref_slice %arg12[%dma_start3A_723] : memref<16000xf32, #tpu.memory_space<vmem>> -> memref<8000xf32, #tpu.memory_space<vmem>>
    %dma_start3A_725 = tpu.memref_slice %arg13[%add3A_719] : memref<1280000xf32, #tpu.memory_space<vmem_shared>> -> memref<8000xf32, #tpu.memory_space<vmem_shared>>
    tpu.enqueue_dma source(%dma_start3A_725 : memref<8000xf32, #tpu.memory_space<vmem_shared>>) target(%dma_start3A_724 : memref<8000xf32, #tpu.memory_space<vmem>>) target_semaphore(%arg15 : memref<!tpu.dma_semaphore, #tpu.memory_space<semaphore_mem>>)
    %dma_wait3A_726 = arith.constant 8000 : i32
    %dma_wait3A_727 = tpu.memref_slice %arg12[%dma_wait3A_726] : memref<16000xf32, #tpu.memory_space<vmem>> -> memref<8000xf32, #tpu.memory_space<vmem>>
    %dma_wait3A_728 = tpu.memref_slice %arg5[%add3A_687] : memref<1280000xf32, #tpu.memory_space<hbm>> -> memref<8000xf32, #tpu.memory_space<hbm>>
    %dma_wait3A_729 = tpu.memref_slice %arg5[%add3A_687] : memref<1280000xf32, #tpu.memory_space<hbm>> -> memref<8000xf32, #tpu.memory_space<hbm>>
    %dma_wait3A_730 = arith.constant 8000 : i32
    %dma_wait3A_731 = tpu.memref_slice %arg12[%dma_wait3A_730] : memref<16000xf32, #tpu.memory_space<vmem>> -> memref<8000xf32, #tpu.memory_space<vmem>>
    tpu.wait_dma2 semaphore(%arg14 : memref<!tpu.dma_semaphore, #tpu.memory_space<semaphore_mem>>) src(%dma_wait3A_731 : memref<8000xf32, #tpu.memory_space<vmem>>) dst(%dma_wait3A_729 : memref<8000xf32, #tpu.memory_space<hbm>>)
    %dma_wait3A_732 = arith.constant 0 : i32
    %dma_wait3A_733 = tpu.memref_slice %arg12[%dma_wait3A_732] : memref<16000xf32, #tpu.memory_space<vmem>> -> memref<8000xf32, #tpu.memory_space<vmem>>
    %dma_wait3A_734 = tpu.memref_slice %arg13[%add3A_719] : memref<1280000xf32, #tpu.memory_space<vmem_shared>> -> memref<8000xf32, #tpu.memory_space<vmem_shared>>
    %dma_wait3A_735 = arith.constant 0 : i32
    %dma_wait3A_736 = tpu.memref_slice %arg12[%dma_wait3A_735] : memref<16000xf32, #tpu.memory_space<vmem>> -> memref<8000xf32, #tpu.memory_space<vmem>>
    %dma_wait3A_737 = tpu.memref_slice %arg13[%add3A_719] : memref<1280000xf32, #tpu.memory_space<vmem_shared>> -> memref<8000xf32, #tpu.memory_space<vmem_shared>>
    tpu.wait_dma2 semaphore(%arg15 : memref<!tpu.dma_semaphore, #tpu.memory_space<semaphore_mem>>) src(%dma_wait3A_737 : memref<8000xf32, #tpu.memory_space<vmem_shared>>) dst(%dma_wait3A_736 : memref<8000xf32, #tpu.memory_space<vmem>>)
    %eq3A_738 = arith.constant 0 : i32
    %eq3A_739 = arith.cmpi eq, %arg0, %eq3A_738 : i32
    %convert_element_type3A_740 = arith.extui %eq3A_739 : i1 to i32
    %cond3A_741 = arith.constant 0 : i32
    %cond3A_742 = arith.cmpi ne, %convert_element_type3A_740, %cond3A_741 : i32
    scf.if %cond3A_742 {
      %dma_start3A_786 = arith.constant 0 : i32
      %dma_start3A_787 = tpu.memref_slice %arg12[%dma_start3A_786] : memref<16000xf32, #tpu.memory_space<vmem>> -> memref<8000xf32, #tpu.memory_space<vmem>>
      %dma_start3A_788 = tpu.memref_slice %arg5[%add3A_719] : memref<1280000xf32, #tpu.memory_space<hbm>> -> memref<8000xf32, #tpu.memory_space<hbm>>
      %dma_start3A_789 = tpu.memref_slice %arg5[%add3A_719] : memref<1280000xf32, #tpu.memory_space<hbm>> -> memref<8000xf32, #tpu.memory_space<hbm>>
      %dma_start3A_790 = arith.constant 0 : i32
      %dma_start3A_791 = tpu.memref_slice %arg12[%dma_start3A_790] : memref<16000xf32, #tpu.memory_space<vmem>> -> memref<8000xf32, #tpu.memory_space<vmem>>
      tpu.enqueue_dma source(%dma_start3A_791 : memref<8000xf32, #tpu.memory_space<vmem>>) target(%dma_start3A_789 : memref<8000xf32, #tpu.memory_space<hbm>>) target_semaphore(%arg14 : memref<!tpu.dma_semaphore, #tpu.memory_space<semaphore_mem>>)
    } else {
    }
    %ne3A_743 = arith.constant 0 : i32
    %ne3A_744 = arith.cmpi ne, %arg0, %ne3A_743 : i32
    %convert_element_type3A_745 = arith.extui %ne3A_744 : i1 to i32
    %cond3A_746 = arith.constant 0 : i32
    %cond3A_747 = arith.cmpi ne, %convert_element_type3A_745, %cond3A_746 : i32
    scf.if %cond3A_747 {
      %dma_start3A_786 = arith.constant 0 : i32
      %dma_start3A_787 = tpu.memref_slice %arg12[%dma_start3A_786] : memref<16000xf32, #tpu.memory_space<vmem>> -> memref<8000xf32, #tpu.memory_space<vmem>>
      %dma_start3A_788 = tpu.memref_slice %arg6[%add3A_719] : memref<1280000xf32, #tpu.memory_space<hbm>> -> memref<8000xf32, #tpu.memory_space<hbm>>
      %dma_start3A_789 = tpu.memref_slice %arg6[%add3A_719] : memref<1280000xf32, #tpu.memory_space<hbm>> -> memref<8000xf32, #tpu.memory_space<hbm>>
      %dma_start3A_790 = arith.constant 0 : i32
      %dma_start3A_791 = tpu.memref_slice %arg12[%dma_start3A_790] : memref<16000xf32, #tpu.memory_space<vmem>> -> memref<8000xf32, #tpu.memory_space<vmem>>
      tpu.enqueue_dma source(%dma_start3A_791 : memref<8000xf32, #tpu.memory_space<vmem>>) target(%dma_start3A_789 : memref<8000xf32, #tpu.memory_space<hbm>>) target_semaphore(%arg14 : memref<!tpu.dma_semaphore, #tpu.memory_space<semaphore_mem>>)
    } else {
    }
    %mul3A_748 = arith.constant 80000 : i32
    %mul3A_749 = arith.muli %arg1, %mul3A_748 : i32
    %add3A_750 = arith.constant 72000 : i32
    %add3A_751 = arith.addi %mul3A_749, %add3A_750 : i32
    %dma_start3A_752 = arith.constant 8000 : i32
    %dma_start3A_753 = tpu.memref_slice %arg12[%dma_start3A_752] : memref<16000xf32, #tpu.memory_space<vmem>> -> memref<8000xf32, #tpu.memory_space<vmem>>
    %dma_start3A_754 = tpu.memref_slice %arg13[%add3A_751] : memref<1280000xf32, #tpu.memory_space<vmem_shared>> -> memref<8000xf32, #tpu.memory_space<vmem_shared>>
    %dma_start3A_755 = arith.constant 8000 : i32
    %dma_start3A_756 = tpu.memref_slice %arg12[%dma_start3A_755] : memref<16000xf32, #tpu.memory_space<vmem>> -> memref<8000xf32, #tpu.memory_space<vmem>>
    %dma_start3A_757 = tpu.memref_slice %arg13[%add3A_751] : memref<1280000xf32, #tpu.memory_space<vmem_shared>> -> memref<8000xf32, #tpu.memory_space<vmem_shared>>
    tpu.enqueue_dma source(%dma_start3A_757 : memref<8000xf32, #tpu.memory_space<vmem_shared>>) target(%dma_start3A_756 : memref<8000xf32, #tpu.memory_space<vmem>>) target_semaphore(%arg15 : memref<!tpu.dma_semaphore, #tpu.memory_space<semaphore_mem>>)
    %dma_wait3A_758 = arith.constant 0 : i32
    %dma_wait3A_759 = tpu.memref_slice %arg12[%dma_wait3A_758] : memref<16000xf32, #tpu.memory_space<vmem>> -> memref<8000xf32, #tpu.memory_space<vmem>>
    %dma_wait3A_760 = tpu.memref_slice %arg5[%add3A_719] : memref<1280000xf32, #tpu.memory_space<hbm>> -> memref<8000xf32, #tpu.memory_space<hbm>>
    %dma_wait3A_761 = tpu.memref_slice %arg5[%add3A_719] : memref<1280000xf32, #tpu.memory_space<hbm>> -> memref<8000xf32, #tpu.memory_space<hbm>>
    %dma_wait3A_762 = arith.constant 0 : i32
    %dma_wait3A_763 = tpu.memref_slice %arg12[%dma_wait3A_762] : memref<16000xf32, #tpu.memory_space<vmem>> -> memref<8000xf32, #tpu.memory_space<vmem>>
    tpu.wait_dma2 semaphore(%arg14 : memref<!tpu.dma_semaphore, #tpu.memory_space<semaphore_mem>>) src(%dma_wait3A_763 : memref<8000xf32, #tpu.memory_space<vmem>>) dst(%dma_wait3A_761 : memref<8000xf32, #tpu.memory_space<hbm>>)
    %dma_wait3A_764 = arith.constant 8000 : i32
    %dma_wait3A_765 = tpu.memref_slice %arg12[%dma_wait3A_764] : memref<16000xf32, #tpu.memory_space<vmem>> -> memref<8000xf32, #tpu.memory_space<vmem>>
    %dma_wait3A_766 = tpu.memref_slice %arg13[%add3A_751] : memref<1280000xf32, #tpu.memory_space<vmem_shared>> -> memref<8000xf32, #tpu.memory_space<vmem_shared>>
    %dma_wait3A_767 = arith.constant 8000 : i32
    %dma_wait3A_768 = tpu.memref_slice %arg12[%dma_wait3A_767] : memref<16000xf32, #tpu.memory_space<vmem>> -> memref<8000xf32, #tpu.memory_space<vmem>>
    %dma_wait3A_769 = tpu.memref_slice %arg13[%add3A_751] : memref<1280000xf32, #tpu.memory_space<vmem_shared>> -> memref<8000xf32, #tpu.memory_space<vmem_shared>>
    tpu.wait_dma2 semaphore(%arg15 : memref<!tpu.dma_semaphore, #tpu.memory_space<semaphore_mem>>) src(%dma_wait3A_769 : memref<8000xf32, #tpu.memory_space<vmem_shared>>) dst(%dma_wait3A_768 : memref<8000xf32, #tpu.memory_space<vmem>>)
    %eq3A_770 = arith.constant 0 : i32
    %eq3A_771 = arith.cmpi eq, %arg0, %eq3A_770 : i32
    %convert_element_type3A_772 = arith.extui %eq3A_771 : i1 to i32
    %cond3A_773 = arith.constant 0 : i32
    %cond3A_774 = arith.cmpi ne, %convert_element_type3A_772, %cond3A_773 : i32
    scf.if %cond3A_774 {
      %dma_start3A_786 = arith.constant 8000 : i32
      %dma_start3A_787 = tpu.memref_slice %arg12[%dma_start3A_786] : memref<16000xf32, #tpu.memory_space<vmem>> -> memref<8000xf32, #tpu.memory_space<vmem>>
      %dma_start3A_788 = tpu.memref_slice %arg5[%add3A_751] : memref<1280000xf32, #tpu.memory_space<hbm>> -> memref<8000xf32, #tpu.memory_space<hbm>>
      %dma_start3A_789 = tpu.memref_slice %arg5[%add3A_751] : memref<1280000xf32, #tpu.memory_space<hbm>> -> memref<8000xf32, #tpu.memory_space<hbm>>
      %dma_start3A_790 = arith.constant 8000 : i32
      %dma_start3A_791 = tpu.memref_slice %arg12[%dma_start3A_790] : memref<16000xf32, #tpu.memory_space<vmem>> -> memref<8000xf32, #tpu.memory_space<vmem>>
      tpu.enqueue_dma source(%dma_start3A_791 : memref<8000xf32, #tpu.memory_space<vmem>>) target(%dma_start3A_789 : memref<8000xf32, #tpu.memory_space<hbm>>) target_semaphore(%arg14 : memref<!tpu.dma_semaphore, #tpu.memory_space<semaphore_mem>>)
    } else {
    }
    %ne3A_775 = arith.constant 0 : i32
    %ne3A_776 = arith.cmpi ne, %arg0, %ne3A_775 : i32
    %convert_element_type3A_777 = arith.extui %ne3A_776 : i1 to i32
    %cond3A_778 = arith.constant 0 : i32
    %cond3A_779 = arith.cmpi ne, %convert_element_type3A_777, %cond3A_778 : i32
    scf.if %cond3A_779 {
      %dma_start3A_786 = arith.constant 8000 : i32
      %dma_start3A_787 = tpu.memref_slice %arg12[%dma_start3A_786] : memref<16000xf32, #tpu.memory_space<vmem>> -> memref<8000xf32, #tpu.memory_space<vmem>>
      %dma_start3A_788 = tpu.memref_slice %arg6[%add3A_751] : memref<1280000xf32, #tpu.memory_space<hbm>> -> memref<8000xf32, #tpu.memory_space<hbm>>
      %dma_start3A_789 = tpu.memref_slice %arg6[%add3A_751] : memref<1280000xf32, #tpu.memory_space<hbm>> -> memref<8000xf32, #tpu.memory_space<hbm>>
      %dma_start3A_790 = arith.constant 8000 : i32
      %dma_start3A_791 = tpu.memref_slice %arg12[%dma_start3A_790] : memref<16000xf32, #tpu.memory_space<vmem>> -> memref<8000xf32, #tpu.memory_space<vmem>>
      tpu.enqueue_dma source(%dma_start3A_791 : memref<8000xf32, #tpu.memory_space<vmem>>) target(%dma_start3A_789 : memref<8000xf32, #tpu.memory_space<hbm>>) target_semaphore(%arg14 : memref<!tpu.dma_semaphore, #tpu.memory_space<semaphore_mem>>)
    } else {
    }
    %dma_wait3A_780 = arith.constant 8000 : i32
    %dma_wait3A_781 = tpu.memref_slice %arg12[%dma_wait3A_780] : memref<16000xf32, #tpu.memory_space<vmem>> -> memref<8000xf32, #tpu.memory_space<vmem>>
    %dma_wait3A_782 = tpu.memref_slice %arg5[%add3A_751] : memref<1280000xf32, #tpu.memory_space<hbm>> -> memref<8000xf32, #tpu.memory_space<hbm>>
    %dma_wait3A_783 = tpu.memref_slice %arg5[%add3A_751] : memref<1280000xf32, #tpu.memory_space<hbm>> -> memref<8000xf32, #tpu.memory_space<hbm>>
    %dma_wait3A_784 = arith.constant 8000 : i32
    %dma_wait3A_785 = tpu.memref_slice %arg12[%dma_wait3A_784] : memref<16000xf32, #tpu.memory_space<vmem>> -> memref<8000xf32, #tpu.memory_space<vmem>>
    tpu.wait_dma2 semaphore(%arg14 : memref<!tpu.dma_semaphore, #tpu.memory_space<semaphore_mem>>) src(%dma_wait3A_785 : memref<8000xf32, #tpu.memory_space<vmem>>) dst(%dma_wait3A_783 : memref<8000xf32, #tpu.memory_space<hbm>>)
    return
  }
}

module attributes {stable_mosaic.version = 14 : i64} {
  func.func @_fused_body(%arg0: i32, %arg1: memref<128x1xi32, #tpu.memory_space<vmem>>, %arg2: memref<1x1xf32, #tpu.memory_space<vmem>>, %arg3: memref<10000x128xf32, #tpu.memory_space<vmem>>, %arg4: memref<10000x128xf32, #tpu.memory_space<vmem>>, %arg5: memref<128x10000xf32, #tpu.memory_space<vmem>>, %arg6: memref<128x10000xf32, #tpu.memory_space<vmem>>, %arg7: memref<128x10000xbf16, #tpu.memory_space<vmem>>) attributes {dimension_semantics = [#tpu.dimension_semantics<arbitrary>], iteration_bounds = array<i64: 9>, scalar_prefetch = 0 : i64, scratch_operands = 1 : i64, tpu.core_type = #tpu.core_type<tc>, window_params = [{transform_indices = @transform_0, window_bounds = array<i64: 128, 1>}, {pipeline_mode = #tpu.pipeline_mode<synchronous>, transform_indices = @transform_1, window_bounds = array<i64: 1, 1>}, {pipeline_mode = #tpu.pipeline_mode<synchronous>, transform_indices = @transform_2, window_bounds = array<i64: 10000, 128>}, {pipeline_mode = #tpu.pipeline_mode<synchronous>, transform_indices = @transform_3, window_bounds = array<i64: 10000, 128>}, {transform_indices = @transform_4, window_bounds = array<i64: 128, 10000>}, {transform_indices = @transform_5, window_bounds = array<i64: 128, 10000>}]} {
    %eq3A = arith.constant 0 : i32
    %eq3A_0 = arith.cmpi eq, %arg0, %eq3A : i32
    %convert_element_type3A = arith.extui %eq3A_0 : i1 to i32
    %cond3A = arith.constant 0 : i32
    %cond3A_1 = arith.cmpi ne, %convert_element_type3A, %cond3A : i32
    scf.if %cond3A_1 {
      %get3A = arith.constant 0 : index
      %get3A_6 = arith.constant 0 : index
      %get3A_7 = vector.load %arg3[%get3A, %get3A_6] : memref<10000x128xf32, #tpu.memory_space<vmem>>, vector<10000x128xf32>
      %get3A_8 = arith.constant 0 : index
      %get3A_9 = arith.constant 0 : index
      %get3A_10 = vector.load %arg4[%get3A_8, %get3A_9] : memref<10000x128xf32, #tpu.memory_space<vmem>>, vector<10000x128xf32>
      %gt3A_11 = arith.constant 0.000000e+00 : f32
      %gt3A_12 = vector.broadcast %gt3A_11 : f32 to vector<10000x128xf32>
      %gt3A_13 = arith.cmpf ogt, %get3A_7, %gt3A_12 : vector<10000x128xf32>
      %convert_element_type3A_14 = arith.extui %gt3A_13 : vector<10000x128xi1> to vector<10000x128xi32>
      %convert_element_type3A_15 = arith.sitofp %convert_element_type3A_14 : vector<10000x128xi32> to vector<10000x128xf32>
      %convert_element_type3A_16 = arith.truncf %convert_element_type3A_15 : vector<10000x128xf32> to vector<10000x128xbf16>
      %gt3A_17 = arith.constant 0.000000e+00 : f32
      %gt3A_18 = vector.broadcast %gt3A_17 : f32 to vector<10000x128xf32>
      %gt3A_19 = arith.cmpf ogt, %get3A_10, %gt3A_18 : vector<10000x128xf32>
      %convert_element_type3A_20 = arith.extui %gt3A_19 : vector<10000x128xi1> to vector<10000x128xi32>
      %convert_element_type3A_21 = arith.sitofp %convert_element_type3A_20 : vector<10000x128xi32> to vector<10000x128xf32>
      %convert_element_type3A_22 = arith.truncf %convert_element_type3A_21 : vector<10000x128xf32> to vector<10000x128xbf16>
      %dot_general3A = arith.constant dense<0.000000e+00> : vector<128x128xf32>
      %dot_general3A_23 = tpu.matmul %convert_element_type3A_16, %convert_element_type3A_16, %dot_general3A {dimension_numbers = #tpu.dot_dimension_numbers<[0], [0], [1], [1], [0, 1, 1, 1], [], []>, transpose_lhs_hint = false} : vector<10000x128xbf16>, vector<10000x128xbf16>, vector<128x128xf32> -> vector<128x128xf32>
      %dot_general3A_24 = arith.constant dense<0.000000e+00> : vector<128x128xf32>
      %dot_general3A_25 = tpu.matmul %convert_element_type3A_16, %convert_element_type3A_22, %dot_general3A_24 {dimension_numbers = #tpu.dot_dimension_numbers<[0], [0], [1], [1], [0, 1, 1, 1], [], []>, transpose_lhs_hint = false} : vector<10000x128xbf16>, vector<10000x128xbf16>, vector<128x128xf32> -> vector<128x128xf32>
      %iota3A = tpu.iota {dimensions = array<i32: 0>} : vector<128x128xi32>
      %iota3A_26 = tpu.iota {dimensions = array<i32: 1>} : vector<128x128xi32>
      %eq3A_27 = arith.cmpi eq, %iota3A, %iota3A_26 : vector<128x128xi32>
      %convert_element_type3A_28 = arith.extui %eq3A_27 : vector<128x128xi1> to vector<128x128xi32>
      %convert_element_type3A_29 = arith.sitofp %convert_element_type3A_28 : vector<128x128xi32> to vector<128x128xf32>
      %mul3A = arith.mulf %dot_general3A_23, %convert_element_type3A_29 : vector<128x128xf32>
      %reduce_sum3A = arith.constant dense<0.000000e+00> : vector<128xf32>
      %reduce_sum3A_30 = vector.multi_reduction <add>, %mul3A, %reduce_sum3A [1] : vector<128x128xf32> to vector<128xf32>
      %broadcast_in_dim3A = vector.shape_cast %reduce_sum3A_30 : vector<128xf32> to vector<128x1xf32>
      %max3A = arith.constant 1.000000e+00 : f32
      %max3A_31 = vector.broadcast %max3A : f32 to vector<128x1xf32>
      %max3A_32 = arith.maximumf %broadcast_in_dim3A, %max3A_31 : vector<128x1xf32>
      %div3A = vector.broadcast %max3A_32 : vector<128x1xf32> to vector<128x128xf32>
      %div3A_33 = arith.divf %dot_general3A_23, %div3A : vector<128x128xf32>
      %div3A_34 = vector.broadcast %max3A_32 : vector<128x1xf32> to vector<128x128xf32>
      %div3A_35 = arith.divf %dot_general3A_25, %div3A_34 : vector<128x128xf32>
      %add3A = arith.constant 1.000000e+00 : f32
      %add3A_36 = vector.broadcast %add3A : f32 to vector<10000x128xf32>
      %add3A_37 = arith.addf %add3A_36, %get3A_7 : vector<10000x128xf32>
      %log3A = math.log %add3A_37 : vector<10000x128xf32>
      %add3A_38 = arith.constant 1.000000e+00 : f32
      %add3A_39 = vector.broadcast %add3A_38 : f32 to vector<10000x128xf32>
      %add3A_40 = arith.addf %add3A_39, %get3A_10 : vector<10000x128xf32>
      %log3A_41 = math.log %add3A_40 : vector<10000x128xf32>
      %dot_general3A_42 = arith.constant dense<0.000000e+00> : vector<128x10000xf32>
      %dot_general3A_43 = tpu.matmul %div3A_33, %log3A, %dot_general3A_42 {dimension_numbers = #tpu.dot_dimension_numbers<[1], [1], [0], [0], [0, 0, 1, 0], [], []>, transpose_lhs_hint = false} : vector<128x128xf32>, vector<10000x128xf32>, vector<128x10000xf32> -> vector<128x10000xf32>
      %dot_general3A_44 = arith.constant dense<0.000000e+00> : vector<128x10000xf32>
      %dot_general3A_45 = tpu.matmul %div3A_35, %log3A_41, %dot_general3A_44 {dimension_numbers = #tpu.dot_dimension_numbers<[1], [1], [0], [0], [0, 0, 1, 0], [], []>, transpose_lhs_hint = false} : vector<128x128xf32>, vector<10000x128xf32>, vector<128x10000xf32> -> vector<128x10000xf32>
      %add3A_46 = arith.addf %dot_general3A_43, %dot_general3A_45 : vector<128x10000xf32>
      %reduce_min3A = arith.constant dense<0x7F800000> : vector<128xf32>
      %reduce_min3A_47 = vector.multi_reduction <minimumf>, %add3A_46, %reduce_min3A [1] : vector<128x10000xf32> to vector<128xf32>
      %broadcast_in_dim3A_48 = vector.shape_cast %reduce_min3A_47 : vector<128xf32> to vector<128x1xf32>
      %reduce_max3A = arith.constant dense<0xFF800000> : vector<128xf32>
      %reduce_max3A_49 = vector.multi_reduction <maximumf>, %add3A_46, %reduce_max3A [1] : vector<128x10000xf32> to vector<128xf32>
      %broadcast_in_dim3A_50 = vector.shape_cast %reduce_max3A_49 : vector<128xf32> to vector<128x1xf32>
      %sub3A = vector.broadcast %broadcast_in_dim3A_48 : vector<128x1xf32> to vector<128x10000xf32>
      %sub3A_51 = arith.subf %add3A_46, %sub3A : vector<128x10000xf32>
      %sub3A_52 = arith.subf %broadcast_in_dim3A_50, %broadcast_in_dim3A_48 : vector<128x1xf32>
      %add3A_53 = arith.constant 9.99999993E-9 : f32
      %add3A_54 = vector.broadcast %add3A_53 : f32 to vector<128x1xf32>
      %add3A_55 = arith.addf %sub3A_52, %add3A_54 : vector<128x1xf32>
      %div3A_56 = vector.broadcast %add3A_55 : vector<128x1xf32> to vector<128x10000xf32>
      %div3A_57 = arith.divf %sub3A_51, %div3A_56 : vector<128x10000xf32>
      %convert_element_type3A_58 = arith.truncf %div3A_57 : vector<128x10000xf32> to vector<128x10000xbf16>
      %swap3A = arith.constant 0 : index
      %swap3A_59 = arith.constant 0 : index
      %swap3A_60 = vector.load %arg7[%swap3A, %swap3A_59] : memref<128x10000xbf16, #tpu.memory_space<vmem>>, vector<128x10000xbf16>
      tpu.vector_store %arg7[%swap3A, %swap3A_59], %convert_element_type3A_58 {strides = array<i32>} : memref<128x10000xbf16, #tpu.memory_space<vmem>>, vector<128x10000xbf16>,
    } else {
    }
    %gt3A = arith.constant 0 : i32
    %gt3A_2 = arith.cmpi sgt, %arg0, %gt3A : i32
    %convert_element_type3A_3 = arith.extui %gt3A_2 : i1 to i32
    %cond3A_4 = arith.constant 0 : i32
    %cond3A_5 = arith.cmpi ne, %convert_element_type3A_3, %cond3A_4 : i32
    scf.if %cond3A_5 {
      %get3A = arith.constant 0 : index
      %get3A_6 = arith.constant 0 : index
      %get3A_7 = vector.load %arg1[%get3A, %get3A_6] : memref<128x1xi32, #tpu.memory_space<vmem>>, vector<128x1xi32>
      %iota3A = tpu.iota {dimensions = array<i32: 1>} : vector<128x128xi32>
      %eq3A_8 = vector.broadcast %get3A_7 : vector<128x1xi32> to vector<128x128xi32>
      %eq3A_9 = arith.cmpi eq, %eq3A_8, %iota3A : vector<128x128xi32>
      %convert_element_type3A_10 = arith.extui %eq3A_9 : vector<128x128xi1> to vector<128x128xi32>
      %convert_element_type3A_11 = arith.sitofp %convert_element_type3A_10 : vector<128x128xi32> to vector<128x128xf32>
      %convert_element_type3A_12 = arith.truncf %convert_element_type3A_11 : vector<128x128xf32> to vector<128x128xbf16>
      %get3A_13 = arith.constant 0 : index
      %get3A_14 = arith.constant 0 : index
      %get3A_15 = vector.load %arg7[%get3A_13, %get3A_14] : memref<128x10000xbf16, #tpu.memory_space<vmem>>, vector<128x10000xbf16>
      %dot_general3A = arith.constant dense<0.000000e+00> : vector<128x10000xf32>
      %dot_general3A_16 = tpu.matmul %convert_element_type3A_12, %get3A_15, %dot_general3A {dimension_numbers = #tpu.dot_dimension_numbers<[1], [0], [0], [1], [0, 0, 1, 1], [], []>, transpose_lhs_hint = false} : vector<128x128xbf16>, vector<128x10000xbf16>, vector<128x10000xf32> -> vector<128x10000xf32>
      %get3A_17 = arith.constant 0 : index
      %get3A_18 = arith.constant 0 : index
      %get3A_19 = vector.load %arg2[%get3A_17, %get3A_18] : memref<1x1xf32, #tpu.memory_space<vmem>>, vector<1x1xf32>
      %get3A_20 = vector.extract %get3A_19[0, 0] : f32 from vector<1x1xf32>
      %neg3A = arith.constant 0.000000e+00 : f32
      %neg3A_21 = arith.subf %neg3A, %get3A_20 : f32
      %exp3A = math.exp %neg3A_21 : f32
      %add3A = arith.constant 1.000000e+00 : f32
      %add3A_22 = arith.addf %add3A, %exp3A : f32
      %div3A = arith.constant 1.000000e+00 : f32
      %div3A_23 = arith.divf %div3A, %add3A_22 : f32
      %get3A_24 = arith.constant 0 : index
      %get3A_25 = arith.constant 0 : index
      %get3A_26 = vector.load %arg5[%get3A_24, %get3A_25] : memref<128x10000xf32, #tpu.memory_space<vmem>>, vector<128x10000xf32>
      %mul3A = vector.broadcast %div3A_23 : f32 to vector<128x10000xf32>
      %mul3A_27 = arith.mulf %mul3A, %dot_general3A_16 : vector<128x10000xf32>
      %add3A_28 = arith.addf %get3A_26, %mul3A_27 : vector<128x10000xf32>
      %swap3A = arith.constant 0 : index
      %swap3A_29 = arith.constant 0 : index
      %swap3A_30 = vector.load %arg6[%swap3A, %swap3A_29] : memref<128x10000xf32, #tpu.memory_space<vmem>>, vector<128x10000xf32>
      tpu.vector_store %arg6[%swap3A, %swap3A_29], %add3A_28 {strides = array<i32>} : memref<128x10000xf32, #tpu.memory_space<vmem>>, vector<128x10000xf32>,
    } else {
    }
    return
  }
  func.func @transform_0(%arg0: i32) -> (i32, i32) {
    %sub3A = arith.constant 1 : i32
    %sub3A_0 = arith.subi %arg0, %sub3A : i32
    %max3A = arith.constant 0 : i32
    %max3A_1 = arith.maxsi %sub3A_0, %max3A : i32
    %c0_i32 = arith.constant 0 : i32
    %c0_i32_2 = arith.constant 0 : i32
    return %max3A_1, %c0_i32 : i32, i32
  }
  func.func @transform_1(%arg0: i32) -> (i32, i32) {
    %c0_i32 = arith.constant 0 : i32
    %c0_i32_0 = arith.constant 0 : i32
    %c0_i32_1 = arith.constant 0 : i32
    return %c0_i32, %c0_i32_0 : i32, i32
  }
  func.func @transform_2(%arg0: i32) -> (i32, i32) {
    %c0_i32 = arith.constant 0 : i32
    %c0_i32_0 = arith.constant 0 : i32
    %c0_i32_1 = arith.constant 0 : i32
    return %c0_i32, %c0_i32_0 : i32, i32
  }
  func.func @transform_3(%arg0: i32) -> (i32, i32) {
    %c0_i32 = arith.constant 0 : i32
    %c0_i32_0 = arith.constant 0 : i32
    %c0_i32_1 = arith.constant 0 : i32
    return %c0_i32, %c0_i32_0 : i32, i32
  }
  func.func @transform_4(%arg0: i32) -> (i32, i32) {
    %sub3A = arith.constant 1 : i32
    %sub3A_0 = arith.subi %arg0, %sub3A : i32
    %max3A = arith.constant 0 : i32
    %max3A_1 = arith.maxsi %sub3A_0, %max3A : i32
    %c0_i32 = arith.constant 0 : i32
    %c0_i32_2 = arith.constant 0 : i32
    return %max3A_1, %c0_i32 : i32, i32
  }
  func.func @transform_5(%arg0: i32) -> (i32, i32) {
    %sub3A = arith.constant 1 : i32
    %sub3A_0 = arith.subi %arg0, %sub3A : i32
    %max3A = arith.constant 0 : i32
    %max3A_1 = arith.maxsi %sub3A_0, %max3A : i32
    %c0_i32 = arith.constant 0 : i32
    %c0_i32_2 = arith.constant 0 : i32
    return %max3A_1, %c0_i32 : i32, i32
  }
}

</mosaic_0001>

<sc_bundles>
// kernel: kernel.4.cloned.1.call-start
scs
__scs_entry_jumppad:
0x0: {  	(pc) =	sbr.rel $0x88, $3  }
0x1: {  	(tag) =	ssettag $0x0;
	lr =	simm.s32 $0x1  }
0x2: {  	[smem:$0x3F9C] =	sst lr;
	_ =	strace $0xD0000000  }
0x3: {  	_ = 	snop  }
0x4: {  	_ = 	snop  }
0x5: {  	_ = 	snop  }
0x6: {  	_ = 	snop  }
0x7: {  	_ = 	snop  }
__scs_overlays_trampoline_lowered:
0x8: {  	[smem:$0x3FAB] =	sst s0  }
0x9: {  	[smem:$0x3FAC] =	sst s1  }
0xa: {  	[smem:$0x3FAD] =	sst s2  }
0xb: {  	[smem:$0x3FAE] =	sst s3  }
0xc: {  	[smem:$0x3FAF] =	sst s4  }
0xd: {  	[smem:$0x3FB0] =	sst s5  }
0xe: {  	[smem:$0x3FB1] =	sst s6  }
0xf: {  	[smem:$0x3FB2] =	sst s7  }
0x10: {  	[smem:$0x3FB3] =	sst s8  }
0x11: {  	[smem:$0x3FB4] =	sst s9;
	s0 =	simm.s32 @!p0 $0x0  }
0x12: {  	s1 =	sld [smem:$0x3F9A];
	s0 =	simm.s32 @p0 $0x1  }
0x13: {  	[smem:$0x3FB5] =	sst s0;
	s0 =	simm.s32 @!p1 $0x0  }
0x14: {  	s2 =	sld [smem:$0x3F99];
	s0 =	simm.s32 @p1 $0x1  }
0x15: {  	[smem:$0x3FB6] =	sst s0;
	s0 =	simm.s32 @!p2 $0x0  }
0x16: {  	s3 =	sld [smem:$0x3FDB];
	s0 =	simm.s32 @p2 $0x1  }
0x17: {  	s4 =	simm.s32 $0x1BF5;
	[smem:$0x3FB8] =	sst s0  }
0x18: {  	s0 =	sld [smem:$0x3F9B];
	_ =	swait.ge [sflag:s4], $0x0  }
0x19: {  	s7 =	sld [smem:$0x3F9C]  }
0x1a: {  	s8 =	sadd.s32 $0xFFFFE003, lr  }
0x1b: {  	s9 =	sadd.s32 $0xFFFFFEF7, lr;
	s5 =	simm.s32 $0xFFFFFFFF;
	p2 =	slt.u32 s8, $0xFFFFF086  }
0x1c: {  	p1 =	slt.u32 s9, $0xF7A;
	s5 =	simm.s32 @!p2 $0x0  }
0x1d: {  	s5 =	simm.s32 @p1 $0x1;
	p0 =	seq.s32 s7, s2  }
0x1e: {  	s7 =	smul.u32 @!p0 $0xF7A, s2;
	p2 =	seq.s32 @!p0 s5, $0x0  }
0x1f: {  	s9 =	smul.u32 $0xF7A, s1;
	s8 =	simm.s32 @!p0 $0x1BF5;
	p2 =	por !p2, p0  }
0x20: {  	[sflag:s8] =	ssyncset.s32 @!p0 $0xFFFFF086;
	s6 =	sadd.s32 @!p0 s3, s7;
	s7 =	simm.s32 @!p0 $0x108  }
0x21: {  	s3 =	sadd.s32 s3, s9;
	s6 =	sadd.s32 @!p0 $0x88, s6;
	s7 =	simm.s32 @p2 $0x1082  }
0x22: {  	[simem:s7], [sflag:s8] =	dma.local @!p0 [hbm:s6], $0xF7A  }
0x23: {  	s9 =	sor.u32 $0xD0000000, s2;
	s6 =	simm.s32 $0x108;
	_ =	swait.ge @!p0 [sflag:s8], $0x0  }
0x24: {  	s3 =	sadd.s32 $0x88, s3;
	s6 =	simm.s32 @!p1 $0x1082;
	[sflag:s4] =	ssyncset.s32 $0xFFFFF086  }
0x25: {  	[simem:s6], [sflag:s4] =	dma.local [hbm:s3], $0xF7A  }
0x26: {  	[smem:$0x3F9C] =	sst s1;
	(tag) =	ssettag s2;
	_ =	strace s9  }
0x27: {  	s1 =	sld [smem:$0x3FAC]  }
0x28: {  	s2 =	sld [smem:$0x3FAD]  }
0x29: {  	s4 =	sld [smem:$0x3FAF]  }
0x2a: {  	p0 =	seq.s32 s5, $0x0;
	s5 =	sld [smem:$0x3FB0]  }
0x2b: {  	s6 =	sld [smem:$0x3FB1]  }
0x2c: {  	s7 =	sld [smem:$0x3FB2]  }
0x2d: {  	s3 =	simm.s32 $0x108;
	s8 =	sld [smem:$0x3FB3]  }
0x2e: {  	s3 =	simm.s32 @!p0 $0x1082;
	s9 =	sld [smem:$0x3FB4]  }
0x2f: {  	lr =	sadd.s32 s0, s3;
	s0 =	sld [smem:$0x3FAB]  }
0x30: {  	s3 =	sld [smem:$0x3FAE]  }
0x31: {  	[smem:$0x3FB7] =	sst s10  }
0x32: {  	s10 =	sld [smem:$0x3FB5];
	_ =	sdelay $0x3  }
0x33: {  	p0 =	seq.s32 s10, $0x1;
	s10 =	sld [smem:$0x3FB7];
	_ =	sdelay $0x3  }
0x34: {  	[smem:$0x3FB7] =	sst s10  }
0x35: {  	s10 =	sld [smem:$0x3FB6];
	_ =	sdelay $0x3  }
0x36: {  	p1 =	seq.s32 s10, $0x1;
	s10 =	sld [smem:$0x3FB7];
	_ =	sdelay $0x3  }
0x37: {  	[smem:$0x3FB7] =	sst s10  }
0x38: {  	s10 =	sld [smem:$0x3FB8]  }
0x39: {  	_ = 	snop;
	(pc) =	sbr.ind lr, $3  }
0x3a: {  	_ = 	snop  }
0x3b: {  	_ = 	snop  }
0x3c: {  	p2 =	seq.s32 s10, $0x1;
	s10 =	sld [smem:$0x3FB7]  }
0x3d: {  	_ =	shalt  }
0x3e: {  	_ =	shalt  }
0x3f: {  	_ =	shalt  }
0x40: {  	_ =	shalt  }
0x41: {  	_ =	shalt  }
0x42: {  	_ =	shalt  }
0x43: {  	_ =	shalt  }
0x44: {  	_ =	shalt  }
0x45: {  	_ =	shalt  }
0x46: {  	_ =	shalt  }
0x47: {  	_ =	shalt  }
0x48: {  	_ =	shalt  }
0x49: {  	_ =	shalt  }
0x4a: {  	_ =	shalt  }
0x4b: {  	_ =	shalt  }
0x4c: {  	_ =	shalt  }
0x4d: {  	_ =	shalt  }
0x4e: {  	_ =	shalt  }
0x4f: {  	_ =	shalt  }
0x50: {  	_ =	shalt  }
0x51: {  	_ =	shalt  }
0x52: {  	_ =	shalt  }
0x53: {  	_ =	shalt  }
0x54: {  	_ =	shalt  }
0x55: {  	_ =	shalt  }
0x56: {  	_ =	shalt  }
0x57: {  	_ =	shalt  }
0x58: {  	_ =	shalt  }
0x59: {  	_ =	shalt  }
0x5a: {  	_ =	shalt  }
0x5b: {  	_ =	shalt  }
0x5c: {  	_ =	shalt  }
0x5d: {  	_ =	shalt  }
0x5e: {  	_ =	shalt  }
0x5f: {  	_ =	shalt  }
0x60: {  	_ =	shalt  }
0x61: {  	_ =	shalt  }
0x62: {  	_ =	shalt  }
0x63: {  	_ =	shalt  }
0x64: {  	_ =	shalt  }
0x65: {  	_ =	shalt  }
0x66: {  	_ =	shalt  }
0x67: {  	_ =	shalt  }
0x68: {  	_ =	shalt  }
0x69: {  	_ =	shalt  }
0x6a: {  	_ =	shalt  }
0x6b: {  	_ =	shalt  }
0x6c: {  	_ =	shalt  }
0x6d: {  	_ =	shalt  }
0x6e: {  	_ =	shalt  }
0x6f: {  	_ =	shalt  }
0x70: {  	_ =	shalt  }
0x71: {  	_ =	shalt  }
0x72: {  	_ =	shalt  }
0x73: {  	_ =	shalt  }
0x74: {  	_ =	shalt  }
0x75: {  	_ =	shalt  }
0x76: {  	_ =	shalt  }
0x77: {  	_ =	shalt  }
0x78: {  	_ =	shalt  }
0x79: {  	_ =	shalt  }
0x7a: {  	_ =	shalt  }
0x7b: {  	_ =	shalt  }
0x7c: {  	_ =	shalt  }
0x7d: {  	_ =	shalt  }
0x7e: {  	_ =	shalt  }
0x7f: {  	_ =	shalt  }
0x80: {  	_ =	shalt  }
0x81: {  	_ =	shalt  }
0x82: {  	_ =	shalt  }
0x83: {  	_ =	shalt  }
0x84: {  	_ =	shalt  }
0x85: {  	_ =	shalt  }
0x86: {  	_ =	shalt  }
0x87: {  	_ =	shalt  }
.Lfunc_end0:
.L_simem_size_0:
called_computation_lowered:
.L_overlay_start_0:
0x88: {  	s2 =	sld [smem:$0x3FD9]  }
0x89: {  	s3 =	sld [smem:$0x3FFE];
	_ =	sdelay $0x1  }
0x8a: {  	s1 =	srdreg.scid  }
0x8b: {  	s0 =	sand.u32 $0x1, s1  }
0x8c: {  	s17 =	sshll.u32 s0, $0xA;
	s2 =	sadd.s32 s3, s2  }
0x8d: {  	s2 =	sadd.s32 s2, s17  }
0x8e: {  	[smem:$0x3FC3] =	sst s2  }
0x8f: {  	_ = 	snop  }
0x90: {  	s2 =	sld [smem:$0x3FC6]  }
0x91: {  	s18 =	sld [smem:$0x3FD0];
	(tm) =	ssettm $0x1  }
0x92: {  	s4 =	sld [smem:$0x3FFB];
	_ =	sdelay $0x3  }
0x93: {  	_ =	strace s4  }
0x94: {  	s4 =	sld [smem:$0x3FFC];
	_ =	sdelay $0x3  }
0x95: {  	_ =	strace s4  }
0x96: {  	s4 =	sld [smem:$0x3FFD];
	_ =	sdelay $0x3  }
0x97: {  	_ =	strace s4  }
0x98: {  	_ =	strace $0x8FFFFFFF  }
0x99: {  	s19 =	sld [smem:$0x3FDB];
	_ =	sdelay $0x1  }
0x9a: {  	s5 =	simm.s32 $_scs_section_size  }
0x9b: {  	s6 =	simm.s32 $_size__tile_overlayer_lowered;
	s7 =	simm.s32 $_tile_overlayer_lowered  }
0x9c: {  	s22 =	simm.s32 $0x1BFF;
	s21 =	sshll.u32 s7, $0x1;
	s4 =	sadd.s32 s5, s19  }
0x9d: {  	s8 =	simm.s32 $0x0;
	s20 =	sshll.u32 s6, $0x1;
	s6 =	sadd.s32 s21, s4  }
0x9e: {  	[timem:s8], [sflag:s22] =	dma.local [hbm:s6], s20  }
0x9f: {  	_ =	swait.ge [sflag:s22], s20  }
0xa0: {  	s5 =	ssub.s32 $0x0, s20;
	[sflag:s22] =	ssyncset.done $0x0  }
0xa1: {  	[sflag:s22] =	ssyncadd.s32 s5;
	_ =	sdelay $0x1  }
0xa2: {  	s23 =	simm.s32 $0x1B8B  }
0xa3: {  	_ =	swait.ge [sflag:s23], $0x1  }
0xa4: {  	[sflag:s23] =	ssyncset.done $0x0  }
0xa5: {  	s25 =	simm.s32 $0x1B8E;
	s24 =	sld [smem:$0x3FFE];
	[sflag:s23] =	ssyncadd.s32 $0xFFFFFFFF  }
0xa6: {  	s26 =	simm.s32 $execute0_lowered;
	[smem:$0x3FD2] =	sst s25  }
0xa7: {  	s6 =	sshll.u32 s26, $0x1;
	_ =	strace $0x80000046;
	[dreg:$0x1] =	wrdreg $0xFFFFFFFF  }
0xa8: {  	s28 =	simm.s32 $_size_execute0_lowered;
	s4 =	sadd.s32 s4, s6;
	[dreg:$0x0] =	wrdreg $0x0  }
0xa9: {  	s6 =	sshll.u32 s28, $0x1;
	[dreg:$0x2] =	wrdreg s4  }
0xaa: {  	[dreg:$0x3] =	wrdreg s6  }
0xab: {  	[dreg:$0x4] =	wrdreg $0xC0  }
0xac: {  	_ =	task [dreg:s8], $0x5FFFF  }
0xad: {  	[dreg:$0x1] =	wrdreg $0xFFFFFFFF  }
0xae: {  	[dreg:$0x0] =	wrdreg $0x60  }
0xaf: {  	[dreg:$0x2] =	wrdreg s24  }
0xb0: {  	[dreg:$0x3] =	wrdreg s2  }
0xb1: {  	[dreg:$0x4] =	wrdreg s18  }
0xb2: {  	[dreg:$0x5] =	wrdreg $0xB7800  }
0xb3: {  	[dreg:$0x6] =	wrdreg $0x9  }
0xb4: {  	_ =	task.clear_ibuf [dreg:s8], $0x7FFFF;
	_ =	strace $0x90000046  }
0xb5: {  	s29 =	simm.s32 $0x9;
	_ =	strace $0x80000048  }
0xb6: {  	_ =	swait.ge [sflag:s29], $0x1  }
0xb7: {  	[sflag:s29] =	ssyncadd.s32 $0xFFFFFFFF  }
0xb8: {  	_ =	strace $0x90000048  }
0xb9: {  	_ =	sfence  }
0xba: {  	s30 =	sld [smem:$0x0];
	_ =	sdelay $0x2  }
0xbb: {  	s31 =	sshll.u32 s1, $0xD;
	s1 =	sshrl.u32 s1, $0x2  }
0xbc: {  	s3 =	sand.u32 $0x4000, s31;
	s1 =	sadd.s32 s1, s30  }
0xbd: {  	s0 =	sor.u32 s3, s0;
	s1 =	sshll.u32 s1, $0x11  }
0xbe: {  	s0 =	sor.u32 s1, s0  }
0xbf: {  	s0 =	sadd.s32 $0x8F2B, s0  }
0xc0: {  	[sflag:s0] =	ssyncadd.remote.s32 $0x1  }
0xc1: {  	_ =	sfence.sel $0xFFFF  }
0xc2: {  	[dreg:$0x0] =	wrdreg $0xFFFFFFFF;
	(pc) =	sbr.abs _section_cstart, $3  }
0xc3: {  	[dreg:$0x1] =	wrdreg $0xFFFFFFFF  }
0xc4: {  	_ =	task.clear_ibuf [dreg:s8], $0x2FFFF;
	_ =	strace $0x9FFFFFFF  }
0xc5: {  	(tm) =	ssettm $0x7FFFFFFF  }
tec
execute0_lowered:
.L_overlay_start_1:
0x0: {  	(tag) =	ssettag $0x1  }
0x1: {  	s0 =	rddreg [dreg:$0x0]  }
0x2: {  	s2 =	rddreg [dreg:$0x1]  }
0x3: {  	s4 =	rddreg [dreg:$0x2]  }
0x4: {  	s1 =	rddreg [dreg:$0x3]  }
0x5: {  	s3 =	simm.s32 $0x0;
	s5 =	srdreg.scid;
	s11 =	stileid.u32  }
0x6: {  	s29 =	simm.s32 $0x7900;
	s30 =	simm.s32 $0x1;
	s31 =	simm.s32 $0x2  }
0x7: {  	s28 =	simm.s32 $0x9840;
	[smem:$0x7FF] =	sst s3;
	s6 =	sadd.s32 $0x5400, s0  }
0x8: {  	s5 =	sand.u32 $0x1, s5;
	s7 =	sadd.s32 $0x400, s0;
	s9 =	smul.u32 $0x4E2, s11  }
0x9: {  	s0 =	sadd.s32 $0xA400, s0;
	s16 =	smul.u32 $0x13880, s11;
	s8 =	ssub.s32 $0x2, s5  }
0xa: {  	p0 =	seq.s32 s5, $0x0;
	s10 =	sshrl.u32 s8, $0x1;
	s2 =	sadd.s32 s2, s9  }
0xb: {  	s5 =	sadd.s32 $0x7D00, s16;
	s19 =	sadd.s32 $0xBB80, s16;
	s20 =	sadd.s32 $0xFA00, s16  }
0xc: {  	s17 =	sshrl.u32 s16, $0x3;
	s21 =	sadd.s32 $0x1F40, s16;
	s22 =	sadd.s32 $0x5DC0, s16  }
0xd: {  	s23 =	sadd.s32 $0x9C40, s16;
	s24 =	sadd.s32 $0xDAC0, s16;
	s7 =	smov.u32 @p0 s6  }
0xe: {  	s0 =	smov.u32 @p0 s4;
	s4 =	simm.s32 $0x0;
	s8 =	ssub.s32 s8, s10  }
0xf: {  	[dreg:$0x5] =	wrdreg s2;
	s2 =	sadd.s32 $0x3E80, s16;
	s18 =	sshrl.u32 s21, $0x3  }
0x10: {  	s13 =	sshrl.u32 s22, $0x3;
	s14 =	sshrl.u32 s5, $0x3;
	s15 =	sshrl.u32 s23, $0x3  }
0x11: {  	s25 =	sshrl.u32 s19, $0x3;
	s26 =	sshrl.u32 s24, $0x3;
	s7 =	sadd.s32 s7, s9  }
0x12: {  	s10 =	sadd.s32 s0, s17;
	s19 =	sadd.s32 s19, s1;
	s21 =	sadd.s32 s21, s1  }
0x13: {  	s22 =	sadd.s32 s22, s1;
	s23 =	sadd.s32 s23, s1;
	s24 =	sadd.s32 s24, s1  }
0x14: {  	s12 =	sshrl.u32 s2, $0x3;
	[dreg:$0x6] =	wrdreg s7;
	s7 =	sadd.s32 $0x11940, s16  }
0x15: {  	[dreg:$0x7] =	wrdreg s10;
	s11 =	sadd.s32 s0, s18;
	s18 =	sadd.s32 s0, s13  }
0x16: {  	s10 =	sadd.s32 s0, s14;
	s13 =	sadd.s32 s0, s26;
	[dreg:$0x8] =	wrdreg s11  }
0x17: {  	s16 =	sadd.s32 s16, s1;
	s17 =	sadd.s32 s0, s12;
	[dreg:$0xa] =	wrdreg s18  }
0x18: {  	s11 =	sadd.s32 s0, s15;
	s12 =	sadd.s32 s0, s25;
	s25 =	sshrl.u32 s20, $0x3  }
0x19: {  	s26 =	sshrl.u32 s7, $0x3;
	s18 =	sadd.s32 s5, s1;
	s20 =	sadd.s32 s20, s1  }
0x1a: {  	[dreg:$0x9] =	wrdreg s17;
	s14 =	sadd.s32 s0, s25;
	s15 =	sadd.s32 s0, s26  }
0x1b: {  	s17 =	sadd.s32 s2, s1;
	s25 =	sadd.s32 s7, s1;
	s26 =	smax.u32 s8, $0x1  }
0x1c: {  	v0 =	vimm.f32 $1.000000000e+00;
	v1 =	vimm.f32 $0.0e+00;
	v2 =	vimm.s32 $0x0;
	s0 =	simm.s32 $0x80;
	s2 =	simm.s32 $0x7800;
	_ =	strace $0x80000047  }
.LBB2_1:
0x1d: {  	s5 =	rddreg [dreg:$0x6]  }
0x1e: {  	[tilespmem:s3], [sflag:$0x1] =	stream.linear.gather [hbm4b:s5+s3], $0x2710, $0x38;
	[tilespmem:$0x1F000] =	vst v63  }
0x1f: {  	s9 =	rddreg [dreg:$0x5];
	s6 =	simm.s32 $0x2800  }
0x20: {  	[tilespmem:s6], [sflag:$0x1] =	stream.linear.gather [hbm4b:s9+s3], $0x2710, $0x38;
	[tilespmem:$0x1F000] =	vst v63  }
0x21: {  	[tilespmem:$0x7800] =	vst v0  }
0x22: {  	[tilespmem:$0x7880] =	vst v0  }
0x23: {  	[tilespmem:$0x7810] =	vst v0  }
0x24: {  	[tilespmem:$0x7890] =	vst v1  }
0x25: {  	[tilespmem:$0x7820] =	vst v0  }
0x26: {  	[tilespmem:$0x78A0] =	vst v1  }
0x27: {  	[tilespmem:$0x7830] =	vst v0  }
0x28: {  	[tilespmem:$0x78B0] =	vst v1  }
0x29: {  	[tilespmem:$0x7840] =	vst v0  }
0x2a: {  	[tilespmem:$0x78C0] =	vst v1  }
0x2b: {  	[tilespmem:$0x7850] =	vst v0  }
0x2c: {  	[tilespmem:$0x78D0] =	vst v1  }
0x2d: {  	[tilespmem:$0x7860] =	vst v0  }
0x2e: {  	[tilespmem:$0x78E0] =	vst v1  }
0x2f: {  	[tilespmem:$0x7870] =	vst v0  }
0x30: {  	s5 =	simm.s32 $0x40;
	s6 =	simm.s32 $0x0;
	[tilespmem:$0x78F0] =	vst v1  }
.LBB2_2:
0x31: {  	p0 =	sne.s32 s5, $0xF9C0;
	[tilespmem:s6+$0x7900] =	vst v1;
	s6 =	smov.u32 s5;
	s5 =	sadd.s32 $0x40, s5  }
.Ltmp0:
0x32: {  	(pc) =	sbr.rel @p0 .LBB2_2-.Ltmp0, $2  }
0x33: {  	_ =	sdelay $0x2  }
0x34: {  	s6 =	sshra.s32 s6, $0x2  }
0x35: {  	[tilespmem:s6+$0x7900] =	vst v1  }
0x36: {  	[spmem:s16] =	stream.linear.scatter [tilespmem:s29], [sflag:$0x2], $0x3E80, $0x38;
	[tilespmem:$0x1F000] =	vst v63  }
0x37: {  	_ = 	snop  }
0x38: {  	[spmem:s17] =	stream.linear.scatter [tilespmem:s29], [sflag:$0x2], $0x3E80, $0x38;
	[tilespmem:$0x1F000] =	vst v63  }
0x39: {  	_ = 	snop  }
0x3a: {  	[spmem:s18] =	stream.linear.scatter [tilespmem:s29], [sflag:$0x2], $0x3E80, $0x38;
	[tilespmem:$0x1F000] =	vst v63  }
0x3b: {  	_ = 	snop  }
0x3c: {  	[spmem:s19] =	stream.linear.scatter [tilespmem:s29], [sflag:$0x2], $0x3E80, $0x38;
	[tilespmem:$0x1F000] =	vst v63  }
0x3d: {  	_ = 	snop  }
0x3e: {  	[spmem:s20] =	stream.linear.scatter [tilespmem:s29], [sflag:$0x2], $0x3E80, $0x38;
	[tilespmem:$0x1F000] =	vst v63  }
0x3f: {  	_ =	swait.ge [sflag:s30], $0x2710  }
0x40: {  	[sflag:s30] =	ssyncset.done $0x0  }
0x41: {  	[sflag:s30] =	ssyncadd.s32 $0xFFFFD8F0  }
0x42: {  	_ =	swait.ge [sflag:s30], $0x2710  }
0x43: {  	[sflag:s30] =	ssyncset.done $0x0  }
0x44: {  	s5 =	simm.s32 $0x0;
	[sflag:s30] =	ssyncadd.s32 $0xFFFFD8F0  }
0x45: {  	v3 =	vld [tilespmem:s5+$0x70]  }
0x46: {  	v4 =	vld [tilespmem:s5+$0x2870]  }
0x47: {  	v5 =	vld [tilespmem:s5+$0x0]  }
0x48: {  	v6 =	vld [tilespmem:s5+$0x10]  }
0x49: {  	v7 =	vld [tilespmem:s5+$0x20]  }
0x4a: {  	v9 =	vld [tilespmem:s5+$0x30]  }
0x4b: {  	v12 =	vld [tilespmem:s5+$0x40]  }
0x4c: {  	v11 =	vld [tilespmem:s5+$0x2800]  }
0x4d: {  	v13 =	vld [tilespmem:s5+$0x2810];
	v3 =	vshll.u32 v3, $0x7  }
0x4e: {  	v3 =	vadd.s32 v4, v3;
	v4 =	vld [tilespmem:s5+$0x50]  }
0x4f: {  	[tilespmem:s5+$0x5070] =	vst v3;
	v3 =	vld [tilespmem:s5+$0x60]  }
0x50: {  	v10 =	vld [tilespmem:s5+$0x2820]  }
0x51: {  	v8 =	vld [tilespmem:s5+$0x2830]  }
0x52: {  	v14 =	vshll.u32 v5, $0x7;
	v5 =	vld [tilespmem:s5+$0x2840];
	v15 =	vshll.u32 v6, $0x7;
	v9 =	vshll.u32 v9, $0x7  }
0x53: {  	v6 =	vld [tilespmem:s5+$0x2850];
	v14 =	vadd.s32 v11, v14;
	v11 =	vshll.u32 v7, $0x7;
	v7 =	vshll.u32 v12, $0x7  }
0x54: {  	s6 =	simm.s32 $0x80;
	s7 =	simm.s32 $0x400;
	v13 =	vadd.s32 v13, v15;
	v12 =	vld [tilespmem:s5+$0x2860];
	[tilespmem:s5+$0x5000] =	vst v14;
	v4 =	vshll.u32 v4, $0x7;
	v3 =	vshll.u32 v3, $0x7  }
.LBB2_4:
0x55: {  	p0 =	sne.s32 s7, $0x9A00;
	v14 =	vld [tilespmem:s6+$0x70];
	[tilespmem:s5+$0x5010] =	vst v13;
	v10 =	vadd.s32 v10, v11  }
0x56: {  	v11 =	vld [tilespmem:s6+$0x2870];
	[tilespmem:s5+$0x5020] =	vst v10;
	v8 =	vadd.s32 v8, v9  }
0x57: {  	v9 =	vld [tilespmem:s6+$0x0];
	[tilespmem:s5+$0x5030] =	vst v8;
	v5 =	vadd.s32 v5, v7  }
0x58: {  	v7 =	vld [tilespmem:s6+$0x10];
	[tilespmem:s5+$0x5040] =	vst v5;
	v4 =	vadd.s32 v6, v4  }
0x59: {  	v5 =	vld [tilespmem:s6+$0x20];
	[tilespmem:s5+$0x5050] =	vst v4;
	v3 =	vadd.s32 v12, v3  }
0x5a: {  	v4 =	vld [tilespmem:s6+$0x30];
	v6 =	vshll.u32 v14, $0x7;
	[tilespmem:s5+$0x5060] =	vst v3;
	s5 =	smov.u32 s6  }
0x5b: {  	v3 =	vld [tilespmem:s5+$0x40];
	v6 =	vadd.s32 v11, v6  }
0x5c: {  	v12 =	vshll.u32 v9, $0x7;
	v13 =	vld [tilespmem:s5+$0x50];
	[tilespmem:s5+$0x5070] =	vst v6  }
0x5d: {  	v14 =	vshll.u32 v7, $0x7;
	v6 =	vld [tilespmem:s5+$0x60]  }
0x5e: {  	v15 =	vld [tilespmem:s5+$0x2800];
	v11 =	vshll.u32 v5, $0x7  }
0x5f: {  	v16 =	vld [tilespmem:s5+$0x2810];
	v9 =	vshll.u32 v4, $0x7  }
.Ltmp1:
0x60: {  	v10 =	vld [tilespmem:s5+$0x2820];
	v7 =	vshll.u32 v3, $0x7;
	(pc) =	sbr.rel @p0 .LBB2_4-.Ltmp1, $4  }
0x61: {  	v8 =	vld [tilespmem:s5+$0x2830];
	v4 =	vshll.u32 v13, $0x7  }
0x62: {  	v5 =	vld [tilespmem:s5+$0x2840];
	v3 =	vshll.u32 v6, $0x7  }
0x63: {  	v12 =	vadd.s32 v15, v12;
	v6 =	vld [tilespmem:s5+$0x2850]  }
0x64: {  	s6 =	sshra.s32 s7, $0x2;
	s7 =	sadd.s32 $0x200, s7;
	[tilespmem:s5+$0x5000] =	vst v12;
	v13 =	vadd.s32 v16, v14;
	v12 =	vld [tilespmem:s5+$0x2860]  }
0x65: {  	v14 =	vld [tilespmem:s6+$0x70];
	[tilespmem:s5+$0x5010] =	vst v13;
	v10 =	vadd.s32 v10, v11  }
0x66: {  	v52 =	vld [tilespmem:s6+$0x2870];
	[tilespmem:s5+$0x5020] =	vst v10;
	v8 =	vadd.s32 v8, v9  }
0x67: {  	v53 =	vld [tilespmem:s6+$0x0];
	[tilespmem:s5+$0x5030] =	vst v8;
	v5 =	vadd.s32 v5, v7  }
0x68: {  	v54 =	vld [tilespmem:s6+$0x10];
	[tilespmem:s5+$0x5040] =	vst v5;
	v4 =	vadd.s32 v6, v4  }
0x69: {  	v5 =	vld [tilespmem:s6+$0x20];
	[tilespmem:s5+$0x5050] =	vst v4;
	v3 =	vadd.s32 v12, v3  }
0x6a: {  	v4 =	vld [tilespmem:s6+$0x30];
	[tilespmem:s5+$0x5060] =	vst v3  }
0x6b: {  	v55 =	vld [tilespmem:s6+$0x40]  }
0x6c: {  	v8 =	vld [tilespmem:s6+$0x50]  }
0x6d: {  	v10 =	vld [tilespmem:s6+$0x2800]  }
0x6e: {  	v56 =	vld [tilespmem:s6+$0x2810]  }
0x6f: {  	v57 =	vld [tilespmem:s6+$0x2820]  }
0x70: {  	v13 =	vld [tilespmem:s6+$0x2830]  }
0x71: {  	v3 =	vshll.u32 v14, $0x7;
	v58 =	vld [tilespmem:s6+$0x2840]  }
0x72: {  	v3 =	vadd.s32 v52, v3;
	v59 =	vld [tilespmem:s6+$0x2850];
	v9 =	vshll.u32 v53, $0x7  }
0x73: {  	[tilespmem:s6+$0x5070] =	vst v3;
	v3 =	vld [tilespmem:s6+$0x60];
	v7 =	vshll.u32 v54, $0x7;
	v9 =	vadd.s32 v10, v9  }
0x74: {  	v60 =	vld [tilespmem:s6+$0x2860];
	v5 =	vshll.u32 v5, $0x7;
	v7 =	vadd.s32 v56, v7;
	[tilespmem:s6+$0x5000] =	vst v9  }
0x75: {  	v4 =	vshll.u32 v4, $0x7;
	v5 =	vadd.s32 v57, v5;
	[tilespmem:s6+$0x5010] =	vst v7  }
0x76: {  	v6 =	vshll.u32 v55, $0x7;
	v4 =	vadd.s32 v13, v4;
	[tilespmem:s6+$0x5020] =	vst v5  }
0x77: {  	v61 =	vshll.u32 v8, $0x7;
	[tilespmem:s6+$0x5030] =	vst v4;
	v62 =	vadd.s32 v58, v6  }
0x78: {  	v3 =	vshll.u32 v3, $0x7;
	v63 =	vadd.s32 v59, v61;
	[tilespmem:s6+$0x5040] =	vst v62  }
0x79: {  	[tilespmem:s6+$0x5050] =	vst v63;
	v3 =	vadd.s32 v60, v3  }
0x7a: {  	[tilespmem:s6+$0x5060] =	vst v3  }
0x7b: {  	v3 =	vld [tilespmem:$0x2700];
	[tilespmem:$0x7710] =	vst v2  }
0x7c: {  	v4 =	vld [tilespmem:$0x4F00];
	[tilespmem:$0x7720] =	vst v2  }
0x7d: {  	[tilespmem:$0x7730] =	vst v2  }
0x7e: {  	[tilespmem:$0x7740] =	vst v2  }
0x7f: {  	[tilespmem:$0x7750] =	vst v2  }
0x80: {  	[tilespmem:$0x7760] =	vst v2;
	v3 =	vshll.u32 v3, $0x7  }
0x81: {  	[tilespmem:$0x7770] =	vst v2;
	v3 =	vadd.s32 v4, v3  }
0x82: {  	[tilespmem:$0x7700] =	vst v3  }
0x83: {  	_ =	swait.ge [sflag:s31], $0x3E80  }
0x84: {  	[sflag:s31] =	ssyncset.done $0x0  }
0x85: {  	[sflag:s31] =	ssyncadd.s32 $0xFFFFC180  }
0x86: {  	_ =	swait.ge [sflag:s31], $0x3E80  }
0x87: {  	[sflag:s31] =	ssyncset.done $0x0  }
0x88: {  	[sflag:s31] =	ssyncadd.s32 $0xFFFFC180  }
0x89: {  	_ =	swait.ge [sflag:s31], $0x3E80  }
0x8a: {  	[sflag:s31] =	ssyncset.done $0x0  }
0x8b: {  	[sflag:s31] =	ssyncadd.s32 $0xFFFFC180  }
0x8c: {  	_ =	swait.ge [sflag:s31], $0x3E80  }
0x8d: {  	[sflag:s31] =	ssyncset.done $0x0  }
0x8e: {  	[sflag:s31] =	ssyncadd.s32 $0xFFFFC180  }
0x8f: {  	_ =	swait.ge [sflag:s31], $0x3E80  }
0x90: {  	[sflag:s31] =	ssyncset.done $0x0  }
0x91: {  	[sflag:s31] =	ssyncadd.s32 $0xFFFFC180  }
0x92: {  	s9 =	simm.s32 $0x5000;
	[bflag:$0x0] =	sbarrier.arrive $0xFFFF  }
0x93: {  	[spmem:s1] =	stream.indirect.scatter.add.f32 [tilespmem:s2], [sflag:$0x1], $0x1, s9, s0, $0xb8;
	[tilespmem:$0x1F000] =	vst v63  }
0x94: {  	s6 =	simm.s32 $0x5080  }
0x95: {  	[spmem:s1] =	stream.indirect.scatter.add.f32 [tilespmem:s2], [sflag:$0x1], $0x1, s6, s0, $0xb8;
	[tilespmem:$0x1F000] =	vst v63  }
0x96: {  	s7 =	simm.s32 $0x5100  }
0x97: {  	[spmem:s1] =	stream.indirect.scatter.add.f32 [tilespmem:s2], [sflag:$0x1], $0x1, s7, s0, $0xb8;
	[tilespmem:$0x1F000] =	vst v63  }
0x98: {  	s8 =	simm.s32 $0x5180  }
0x99: {  	[spmem:s1] =	stream.indirect.scatter.add.f32 [tilespmem:s2], [sflag:$0x1], $0x1, s8, s0, $0xb8;
	[tilespmem:$0x1F000] =	vst v63  }
0x9a: {  	s9 =	simm.s32 $0x5200  }
0x9b: {  	[spmem:s1] =	stream.indirect.scatter.add.f32 [tilespmem:s2], [sflag:$0x1], $0x1, s9, s0, $0xb8;
	[tilespmem:$0x1F000] =	vst v63  }
0x9c: {  	s6 =	simm.s32 $0x5280  }
0x9d: {  	[spmem:s1] =	stream.indirect.scatter.add.f32 [tilespmem:s2], [sflag:$0x1], $0x1, s6, s0, $0xb8;
	[tilespmem:$0x1F000] =	vst v63  }
0x9e: {  	s7 =	simm.s32 $0x5300  }
0x9f: {  	[spmem:s1] =	stream.indirect.scatter.add.f32 [tilespmem:s2], [sflag:$0x1], $0x1, s7, s0, $0xb8;
	[tilespmem:$0x1F000] =	vst v63  }
0xa0: {  	s8 =	simm.s32 $0x5380  }
0xa1: {  	[spmem:s1] =	stream.indirect.scatter.add.f32 [tilespmem:s2], [sflag:$0x1], $0x1, s8, s0, $0xb8;
	[tilespmem:$0x1F000] =	vst v63  }
0xa2: {  	s9 =	simm.s32 $0x5400  }
0xa3: {  	[spmem:s1] =	stream.indirect.scatter.add.f32 [tilespmem:s2], [sflag:$0x1], $0x1, s9, s0, $0xb8;
	[tilespmem:$0x1F000] =	vst v63  }
0xa4: {  	s6 =	simm.s32 $0x5480  }
0xa5: {  	[spmem:s1] =	stream.indirect.scatter.add.f32 [tilespmem:s2], [sflag:$0x1], $0x1, s6, s0, $0xb8;
	[tilespmem:$0x1F000] =	vst v63  }
0xa6: {  	s7 =	simm.s32 $0x5500  }
0xa7: {  	[spmem:s1] =	stream.indirect.scatter.add.f32 [tilespmem:s2], [sflag:$0x1], $0x1, s7, s0, $0xb8;
	[tilespmem:$0x1F000] =	vst v63  }
0xa8: {  	s8 =	simm.s32 $0x5580  }
0xa9: {  	[spmem:s1] =	stream.indirect.scatter.add.f32 [tilespmem:s2], [sflag:$0x1], $0x1, s8, s0, $0xb8;
	[tilespmem:$0x1F000] =	vst v63  }
0xaa: {  	s9 =	simm.s32 $0x5600  }
0xab: {  	[spmem:s1] =	stream.indirect.scatter.add.f32 [tilespmem:s2], [sflag:$0x1], $0x1, s9, s0, $0xb8;
	[tilespmem:$0x1F000] =	vst v63  }
0xac: {  	_ =	swait.ge [sflag:s30], $0x80  }
0xad: {  	[sflag:s30] =	ssyncset.done $0x0  }
0xae: {  	[sflag:s30] =	ssyncadd.s32 $0xFFFFFF80  }
0xaf: {  	_ =	swait.ge [sflag:s30], $0x80  }
0xb0: {  	[sflag:s30] =	ssyncset.done $0x0  }
0xb1: {  	[sflag:s30] =	ssyncadd.s32 $0xFFFFFF80  }
0xb2: {  	_ =	swait.ge [sflag:s30], $0x80  }
0xb3: {  	[sflag:s30] =	ssyncset.done $0x0  }
0xb4: {  	[sflag:s30] =	ssyncadd.s32 $0xFFFFFF80  }
0xb5: {  	_ =	swait.ge [sflag:s30], $0x80  }
0xb6: {  	[sflag:s30] =	ssyncset.done $0x0  }
0xb7: {  	[sflag:s30] =	ssyncadd.s32 $0xFFFFFF80  }
0xb8: {  	_ =	swait.ge [sflag:s30], $0x80  }
0xb9: {  	[sflag:s30] =	ssyncset.done $0x0  }
0xba: {  	[sflag:s30] =	ssyncadd.s32 $0xFFFFFF80  }
0xbb: {  	_ =	swait.ge [sflag:s30], $0x80  }
0xbc: {  	[sflag:s30] =	ssyncset.done $0x0  }
0xbd: {  	[sflag:s30] =	ssyncadd.s32 $0xFFFFFF80  }
0xbe: {  	_ =	swait.ge [sflag:s30], $0x80  }
0xbf: {  	[sflag:s30] =	ssyncset.done $0x0  }
0xc0: {  	[sflag:s30] =	ssyncadd.s32 $0xFFFFFF80  }
0xc1: {  	_ =	swait.ge [sflag:s30], $0x80  }
0xc2: {  	[sflag:s30] =	ssyncset.done $0x0  }
0xc3: {  	[sflag:s30] =	ssyncadd.s32 $0xFFFFFF80  }
0xc4: {  	_ =	swait.ge [sflag:s30], $0x80  }
0xc5: {  	[sflag:s30] =	ssyncset.done $0x0  }
0xc6: {  	[sflag:s30] =	ssyncadd.s32 $0xFFFFFF80  }
0xc7: {  	_ =	swait.ge [sflag:s30], $0x80  }
0xc8: {  	[sflag:s30] =	ssyncset.done $0x0  }
0xc9: {  	[sflag:s30] =	ssyncadd.s32 $0xFFFFFF80  }
0xca: {  	_ =	swait.ge [sflag:s30], $0x80  }
0xcb: {  	[sflag:s30] =	ssyncset.done $0x0  }
0xcc: {  	[sflag:s30] =	ssyncadd.s32 $0xFFFFFF80  }
0xcd: {  	_ =	swait.ge [sflag:s30], $0x80  }
0xce: {  	[sflag:s30] =	ssyncset.done $0x0  }
0xcf: {  	[sflag:s30] =	ssyncadd.s32 $0xFFFFFF80  }
0xd0: {  	_ =	swait.ge [sflag:s30], $0x80  }
0xd1: {  	s5 =	simm.s32 $0x3400;
	s7 =	simm.s32 $0x680;
	[sflag:s30] =	ssyncset.done $0x0  }
.LBB2_6:
0xd2: {  	s9 =	sadd.s32 $0x5000, s7  }
0xd3: {  	[sflag:s30] =	ssyncadd.s32 $0xFFFFFF80;
	s6 =	smov.u32 s5;
	s8 =	sadd.s32 $0x1A00, s5  }
0xd4: {  	[spmem:s1] =	stream.indirect.scatter.add.f32 [tilespmem:s2], [sflag:$0x1], $0x1, s9, s0, $0xb8;
	[tilespmem:$0x1F000] =	vst v63  }
0xd5: {  	p0 =	sne.s32 s5, $0x8200;
	s5 =	sadd.s32 $0x5080, s7  }
0xd6: {  	[spmem:s1] =	stream.indirect.scatter.add.f32 [tilespmem:s2], [sflag:$0x1], $0x1, s5, s0, $0xb8;
	[tilespmem:$0x1F000] =	vst v63  }
0xd7: {  	s5 =	sadd.s32 $0x5100, s7  }
0xd8: {  	[spmem:s1] =	stream.indirect.scatter.add.f32 [tilespmem:s2], [sflag:$0x1], $0x1, s5, s0, $0xb8;
	[tilespmem:$0x1F000] =	vst v63  }
0xd9: {  	s5 =	sadd.s32 $0x5180, s7  }
0xda: {  	[spmem:s1] =	stream.indirect.scatter.add.f32 [tilespmem:s2], [sflag:$0x1], $0x1, s5, s0, $0xb8;
	[tilespmem:$0x1F000] =	vst v63  }
0xdb: {  	s5 =	sadd.s32 $0x5200, s7  }
0xdc: {  	[spmem:s1] =	stream.indirect.scatter.add.f32 [tilespmem:s2], [sflag:$0x1], $0x1, s5, s0, $0xb8;
	[tilespmem:$0x1F000] =	vst v63  }
0xdd: {  	s5 =	sadd.s32 $0x5280, s7  }
0xde: {  	[spmem:s1] =	stream.indirect.scatter.add.f32 [tilespmem:s2], [sflag:$0x1], $0x1, s5, s0, $0xb8;
	[tilespmem:$0x1F000] =	vst v63  }
0xdf: {  	s5 =	sadd.s32 $0x5300, s7  }
0xe0: {  	[spmem:s1] =	stream.indirect.scatter.add.f32 [tilespmem:s2], [sflag:$0x1], $0x1, s5, s0, $0xb8;
	[tilespmem:$0x1F000] =	vst v63  }
0xe1: {  	s5 =	sadd.s32 $0x5380, s7  }
0xe2: {  	[spmem:s1] =	stream.indirect.scatter.add.f32 [tilespmem:s2], [sflag:$0x1], $0x1, s5, s0, $0xb8;
	[tilespmem:$0x1F000] =	vst v63  }
0xe3: {  	s5 =	sadd.s32 $0x5400, s7  }
0xe4: {  	[spmem:s1] =	stream.indirect.scatter.add.f32 [tilespmem:s2], [sflag:$0x1], $0x1, s5, s0, $0xb8;
	[tilespmem:$0x1F000] =	vst v63  }
0xe5: {  	s5 =	sadd.s32 $0x5480, s7  }
0xe6: {  	[spmem:s1] =	stream.indirect.scatter.add.f32 [tilespmem:s2], [sflag:$0x1], $0x1, s5, s0, $0xb8;
	[tilespmem:$0x1F000] =	vst v63  }
0xe7: {  	s5 =	sadd.s32 $0x5500, s7  }
0xe8: {  	[spmem:s1] =	stream.indirect.scatter.add.f32 [tilespmem:s2], [sflag:$0x1], $0x1, s5, s0, $0xb8;
	[tilespmem:$0x1F000] =	vst v63  }
0xe9: {  	s5 =	sadd.s32 $0x5580, s7  }
0xea: {  	[spmem:s1] =	stream.indirect.scatter.add.f32 [tilespmem:s2], [sflag:$0x1], $0x1, s5, s0, $0xb8;
	[tilespmem:$0x1F000] =	vst v63  }
0xeb: {  	s5 =	sadd.s32 $0x5600, s7  }
0xec: {  	[spmem:s1] =	stream.indirect.scatter.add.f32 [tilespmem:s2], [sflag:$0x1], $0x1, s5, s0, $0xb8;
	[tilespmem:$0x1F000] =	vst v63  }
0xed: {  	_ =	swait.ge [sflag:s30], $0x80  }
0xee: {  	[sflag:s30] =	ssyncset.done $0x0  }
0xef: {  	[sflag:s30] =	ssyncadd.s32 $0xFFFFFF80  }
0xf0: {  	_ =	swait.ge [sflag:s30], $0x80  }
0xf1: {  	[sflag:s30] =	ssyncset.done $0x0  }
0xf2: {  	[sflag:s30] =	ssyncadd.s32 $0xFFFFFF80  }
0xf3: {  	_ =	swait.ge [sflag:s30], $0x80  }
0xf4: {  	[sflag:s30] =	ssyncset.done $0x0  }
0xf5: {  	[sflag:s30] =	ssyncadd.s32 $0xFFFFFF80  }
0xf6: {  	_ =	swait.ge [sflag:s30], $0x80  }
0xf7: {  	[sflag:s30] =	ssyncset.done $0x0  }
0xf8: {  	[sflag:s30] =	ssyncadd.s32 $0xFFFFFF80  }
0xf9: {  	_ =	swait.ge [sflag:s30], $0x80  }
0xfa: {  	[sflag:s30] =	ssyncset.done $0x0  }
0xfb: {  	[sflag:s30] =	ssyncadd.s32 $0xFFFFFF80  }
0xfc: {  	_ =	swait.ge [sflag:s30], $0x80  }
0xfd: {  	[sflag:s30] =	ssyncset.done $0x0  }
0xfe: {  	[sflag:s30] =	ssyncadd.s32 $0xFFFFFF80  }
0xff: {  	_ =	swait.ge [sflag:s30], $0x80  }
0x100: {  	[sflag:s30] =	ssyncset.done $0x0  }
0x101: {  	[sflag:s30] =	ssyncadd.s32 $0xFFFFFF80  }
0x102: {  	_ =	swait.ge [sflag:s30], $0x80  }
0x103: {  	[sflag:s30] =	ssyncset.done $0x0  }
0x104: {  	[sflag:s30] =	ssyncadd.s32 $0xFFFFFF80  }
0x105: {  	_ =	swait.ge [sflag:s30], $0x80  }
0x106: {  	[sflag:s30] =	ssyncset.done $0x0  }
0x107: {  	[sflag:s30] =	ssyncadd.s32 $0xFFFFFF80  }
0x108: {  	_ =	swait.ge [sflag:s30], $0x80  }
0x109: {  	[sflag:s30] =	ssyncset.done $0x0  }
0x10a: {  	[sflag:s30] =	ssyncadd.s32 $0xFFFFFF80  }
0x10b: {  	_ =	swait.ge [sflag:s30], $0x80  }
0x10c: {  	[sflag:s30] =	ssyncset.done $0x0  }
0x10d: {  	[sflag:s30] =	ssyncadd.s32 $0xFFFFFF80  }
.Ltmp2:
0x10e: {  	_ =	swait.ge [sflag:s30], $0x80;
	(pc) =	sbr.rel @p0 .LBB2_6-.Ltmp2, $4  }
0x10f: {  	[sflag:s30] =	ssyncset.done $0x0  }
0x110: {  	[sflag:s30] =	ssyncadd.s32 $0xFFFFFF80  }
0x111: {  	_ =	swait.ge [sflag:s30], $0x80  }
0x112: {  	s7 =	sshra.s32 s6, $0x2;
	s5 =	smov.u32 s8;
	[sflag:s30] =	ssyncset.done $0x0  }
0x113: {  	s5 =	sadd.s32 $0x5000, s7;
	[sflag:s30] =	ssyncadd.s32 $0xFFFFFF80  }
0x114: {  	[spmem:s1] =	stream.indirect.scatter.add.f32 [tilespmem:s2], [sflag:$0x1], $0x1, s5, s0, $0xb8;
	[tilespmem:$0x1F000] =	vst v63  }
0x115: {  	s9 =	sadd.s32 $0x5080, s7  }
0x116: {  	[spmem:s1] =	stream.indirect.scatter.add.f32 [tilespmem:s2], [sflag:$0x1], $0x1, s9, s0, $0xb8;
	[tilespmem:$0x1F000] =	vst v63  }
0x117: {  	s6 =	sadd.s32 $0x5100, s7  }
0x118: {  	[spmem:s1] =	stream.indirect.scatter.add.f32 [tilespmem:s2], [sflag:$0x1], $0x1, s6, s0, $0xb8;
	[tilespmem:$0x1F000] =	vst v63  }
0x119: {  	s8 =	sadd.s32 $0x5180, s7  }
0x11a: {  	[spmem:s1] =	stream.indirect.scatter.add.f32 [tilespmem:s2], [sflag:$0x1], $0x1, s8, s0, $0xb8;
	[tilespmem:$0x1F000] =	vst v63  }
0x11b: {  	s9 =	sadd.s32 $0x5200, s7  }
0x11c: {  	[spmem:s1] =	stream.indirect.scatter.add.f32 [tilespmem:s2], [sflag:$0x1], $0x1, s9, s0, $0xb8;
	[tilespmem:$0x1F000] =	vst v63  }
0x11d: {  	s6 =	sadd.s32 $0x5280, s7  }
0x11e: {  	[spmem:s1] =	stream.indirect.scatter.add.f32 [tilespmem:s2], [sflag:$0x1], $0x1, s6, s0, $0xb8;
	[tilespmem:$0x1F000] =	vst v63  }
0x11f: {  	s8 =	sadd.s32 $0x5300, s7  }
0x120: {  	[spmem:s1] =	stream.indirect.scatter.add.f32 [tilespmem:s2], [sflag:$0x1], $0x1, s8, s0, $0xb8;
	[tilespmem:$0x1F000] =	vst v63  }
0x121: {  	s9 =	sadd.s32 $0x5380, s7  }
0x122: {  	[spmem:s1] =	stream.indirect.scatter.add.f32 [tilespmem:s2], [sflag:$0x1], $0x1, s9, s0, $0xb8;
	[tilespmem:$0x1F000] =	vst v63  }
0x123: {  	s6 =	sadd.s32 $0x5400, s7  }
0x124: {  	[spmem:s1] =	stream.indirect.scatter.add.f32 [tilespmem:s2], [sflag:$0x1], $0x1, s6, s0, $0xb8;
	[tilespmem:$0x1F000] =	vst v63  }
0x125: {  	s8 =	sadd.s32 $0x5480, s7  }
0x126: {  	[spmem:s1] =	stream.indirect.scatter.add.f32 [tilespmem:s2], [sflag:$0x1], $0x1, s8, s0, $0xb8;
	[tilespmem:$0x1F000] =	vst v63  }
0x127: {  	s9 =	sadd.s32 $0x5500, s7  }
0x128: {  	[spmem:s1] =	stream.indirect.scatter.add.f32 [tilespmem:s2], [sflag:$0x1], $0x1, s9, s0, $0xb8;
	[tilespmem:$0x1F000] =	vst v63  }
0x129: {  	s6 =	sadd.s32 $0x5580, s7  }
0x12a: {  	[spmem:s1] =	stream.indirect.scatter.add.f32 [tilespmem:s2], [sflag:$0x1], $0x1, s6, s0, $0xb8;
	[tilespmem:$0x1F000] =	vst v63  }
0x12b: {  	s8 =	sadd.s32 $0x5600, s7  }
0x12c: {  	[spmem:s1] =	stream.indirect.scatter.add.f32 [tilespmem:s2], [sflag:$0x1], $0x1, s8, s0, $0xb8;
	[tilespmem:$0x1F000] =	vst v63  }
0x12d: {  	_ =	swait.ge [sflag:s30], $0x80  }
0x12e: {  	[sflag:s30] =	ssyncset.done $0x0  }
0x12f: {  	[sflag:s30] =	ssyncadd.s32 $0xFFFFFF80  }
0x130: {  	_ =	swait.ge [sflag:s30], $0x80  }
0x131: {  	[sflag:s30] =	ssyncset.done $0x0  }
0x132: {  	[sflag:s30] =	ssyncadd.s32 $0xFFFFFF80  }
0x133: {  	_ =	swait.ge [sflag:s30], $0x80  }
0x134: {  	[sflag:s30] =	ssyncset.done $0x0  }
0x135: {  	[sflag:s30] =	ssyncadd.s32 $0xFFFFFF80  }
0x136: {  	_ =	swait.ge [sflag:s30], $0x80  }
0x137: {  	[sflag:s30] =	ssyncset.done $0x0  }
0x138: {  	[sflag:s30] =	ssyncadd.s32 $0xFFFFFF80  }
0x139: {  	_ =	swait.ge [sflag:s30], $0x80  }
0x13a: {  	[sflag:s30] =	ssyncset.done $0x0  }
0x13b: {  	[sflag:s30] =	ssyncadd.s32 $0xFFFFFF80  }
0x13c: {  	_ =	swait.ge [sflag:s30], $0x80  }
0x13d: {  	[sflag:s30] =	ssyncset.done $0x0  }
0x13e: {  	[sflag:s30] =	ssyncadd.s32 $0xFFFFFF80  }
0x13f: {  	_ =	swait.ge [sflag:s30], $0x80  }
0x140: {  	[sflag:s30] =	ssyncset.done $0x0  }
0x141: {  	[sflag:s30] =	ssyncadd.s32 $0xFFFFFF80  }
0x142: {  	_ =	swait.ge [sflag:s30], $0x80  }
0x143: {  	[sflag:s30] =	ssyncset.done $0x0  }
0x144: {  	[sflag:s30] =	ssyncadd.s32 $0xFFFFFF80  }
0x145: {  	_ =	swait.ge [sflag:s30], $0x80  }
0x146: {  	[sflag:s30] =	ssyncset.done $0x0  }
0x147: {  	[sflag:s30] =	ssyncadd.s32 $0xFFFFFF80  }
0x148: {  	_ =	swait.ge [sflag:s30], $0x80  }
0x149: {  	[sflag:s30] =	ssyncset.done $0x0  }
0x14a: {  	[sflag:s30] =	ssyncadd.s32 $0xFFFFFF80  }
0x14b: {  	_ =	swait.ge [sflag:s30], $0x80  }
0x14c: {  	[sflag:s30] =	ssyncset.done $0x0  }
0x14d: {  	[sflag:s30] =	ssyncadd.s32 $0xFFFFFF80  }
0x14e: {  	_ =	swait.ge [sflag:s30], $0x80  }
0x14f: {  	[sflag:s30] =	ssyncset.done $0x0  }
0x150: {  	[sflag:s30] =	ssyncadd.s32 $0xFFFFFF80  }
0x151: {  	_ =	swait.ge [sflag:s30], $0x80  }
0x152: {  	[sflag:s30] =	ssyncset.done $0x0  }
0x153: {  	s9 =	simm.s32 $0x7700;
	s6 =	simm.s32 $0x7880;
	[sflag:s30] =	ssyncadd.s32 $0xFFFFFF80  }
0x154: {  	[spmem:s1] =	stream.indirect.scatter.add.f32 [tilespmem:s6], [sflag:$0x1], $0x1, s9, s0, $0xb8;
	[tilespmem:$0x1F000] =	vst v63  }
0x155: {  	_ =	swait.ge [sflag:s30], $0x80  }
0x156: {  	[sflag:s30] =	ssyncset.done $0x0  }
0x157: {  	[sflag:s30] =	ssyncadd.s32 $0xFFFFFF80  }
0x158: {  	[bflag:$0x0] =	sbarrier.arrive $0xFFFF  }
0x159: {  	[tilespmem:s29], [sflag:$0x2] =	stream.linear.gather [spmem:s16], $0x1F40, $0x38;
	[tilespmem:$0x1F000] =	vst v63  }
0x15a: {  	_ =	swait.ge [sflag:s31], $0x1F40  }
0x15b: {  	[sflag:s31] =	ssyncset.done $0x0  }
0x15c: {  	s6 =	rddreg [dreg:$0x7];
	[sflag:s31] =	ssyncadd.s32 $0xFFFFE0C0  }
0x15d: {  	[hbm4b:s6+s3] =	stream.linear.scatter [tilespmem:s29], [sflag:$0x1], $0x1F40, $0x38;
	[tilespmem:$0x1F000] =	vst v63  }
0x15e: {  	_ = 	snop  }
0x15f: {  	[tilespmem:s28], [sflag:$0x2] =	stream.linear.gather [spmem:s21], $0x1F40, $0x38;
	[tilespmem:$0x1F000] =	vst v63  }
0x160: {  	_ =	swait.ge [sflag:s30], $0x1F40  }
0x161: {  	[sflag:s30] =	ssyncset.done $0x0  }
0x162: {  	[sflag:s30] =	ssyncadd.s32 $0xFFFFE0C0  }
0x163: {  	_ =	swait.ge [sflag:s31], $0x1F40  }
0x164: {  	[sflag:s31] =	ssyncset.done $0x0  }
0x165: {  	s7 =	rddreg [dreg:$0x8];
	[sflag:s31] =	ssyncadd.s32 $0xFFFFE0C0  }
0x166: {  	[hbm4b:s7+s3] =	stream.linear.scatter [tilespmem:s28], [sflag:$0x1], $0x1F40, $0x38;
	[tilespmem:$0x1F000] =	vst v63  }
0x167: {  	_ = 	snop  }
0x168: {  	[tilespmem:s29], [sflag:$0x2] =	stream.linear.gather [spmem:s17], $0x1F40, $0x38;
	[tilespmem:$0x1F000] =	vst v63  }
0x169: {  	_ =	swait.ge [sflag:s30], $0x1F40  }
0x16a: {  	[sflag:s30] =	ssyncset.done $0x0  }
0x16b: {  	[sflag:s30] =	ssyncadd.s32 $0xFFFFE0C0  }
0x16c: {  	_ =	swait.ge [sflag:s31], $0x1F40  }
0x16d: {  	[sflag:s31] =	ssyncset.done $0x0  }
0x16e: {  	s8 =	rddreg [dreg:$0x9];
	[sflag:s31] =	ssyncadd.s32 $0xFFFFE0C0  }
0x16f: {  	[hbm4b:s8+s3] =	stream.linear.scatter [tilespmem:s29], [sflag:$0x1], $0x1F40, $0x38;
	[tilespmem:$0x1F000] =	vst v63  }
0x170: {  	_ = 	snop  }
0x171: {  	[tilespmem:s28], [sflag:$0x2] =	stream.linear.gather [spmem:s22], $0x1F40, $0x38;
	[tilespmem:$0x1F000] =	vst v63  }
0x172: {  	_ =	swait.ge [sflag:s30], $0x1F40  }
0x173: {  	[sflag:s30] =	ssyncset.done $0x0  }
0x174: {  	[sflag:s30] =	ssyncadd.s32 $0xFFFFE0C0  }
0x175: {  	_ =	swait.ge [sflag:s31], $0x1F40  }
0x176: {  	[sflag:s31] =	ssyncset.done $0x0  }
0x177: {  	s9 =	rddreg [dreg:$0xa];
	[sflag:s31] =	ssyncadd.s32 $0xFFFFE0C0  }
0x178: {  	[hbm4b:s9+s3] =	stream.linear.scatter [tilespmem:s28], [sflag:$0x1], $0x1F40, $0x38;
	[tilespmem:$0x1F000] =	vst v63  }
0x179: {  	_ = 	snop  }
0x17a: {  	[tilespmem:s29], [sflag:$0x2] =	stream.linear.gather [spmem:s18], $0x1F40, $0x38;
	[tilespmem:$0x1F000] =	vst v63  }
0x17b: {  	_ =	swait.ge [sflag:s30], $0x1F40  }
0x17c: {  	[sflag:s30] =	ssyncset.done $0x0  }
0x17d: {  	[sflag:s30] =	ssyncadd.s32 $0xFFFFE0C0  }
0x17e: {  	_ =	swait.ge [sflag:s31], $0x1F40  }
0x17f: {  	[sflag:s31] =	ssyncset.done $0x0  }
0x180: {  	[sflag:s31] =	ssyncadd.s32 $0xFFFFE0C0  }
0x181: {  	[hbm4b:s10+s3] =	stream.linear.scatter [tilespmem:s29], [sflag:$0x1], $0x1F40, $0x38;
	[tilespmem:$0x1F000] =	vst v63  }
0x182: {  	_ = 	snop  }
0x183: {  	[tilespmem:s28], [sflag:$0x2] =	stream.linear.gather [spmem:s23], $0x1F40, $0x38;
	[tilespmem:$0x1F000] =	vst v63  }
0x184: {  	_ =	swait.ge [sflag:s30], $0x1F40  }
0x185: {  	[sflag:s30] =	ssyncset.done $0x0  }
0x186: {  	[sflag:s30] =	ssyncadd.s32 $0xFFFFE0C0  }
0x187: {  	_ =	swait.ge [sflag:s31], $0x1F40  }
0x188: {  	[sflag:s31] =	ssyncset.done $0x0  }
0x189: {  	[sflag:s31] =	ssyncadd.s32 $0xFFFFE0C0  }
0x18a: {  	[hbm4b:s11+s3] =	stream.linear.scatter [tilespmem:s28], [sflag:$0x1], $0x1F40, $0x38;
	[tilespmem:$0x1F000] =	vst v63  }
0x18b: {  	_ = 	snop  }
0x18c: {  	[tilespmem:s29], [sflag:$0x2] =	stream.linear.gather [spmem:s19], $0x1F40, $0x38;
	[tilespmem:$0x1F000] =	vst v63  }
0x18d: {  	_ =	swait.ge [sflag:s30], $0x1F40  }
0x18e: {  	[sflag:s30] =	ssyncset.done $0x0  }
0x18f: {  	[sflag:s30] =	ssyncadd.s32 $0xFFFFE0C0  }
0x190: {  	_ =	swait.ge [sflag:s31], $0x1F40  }
0x191: {  	[sflag:s31] =	ssyncset.done $0x0  }
0x192: {  	[sflag:s31] =	ssyncadd.s32 $0xFFFFE0C0  }
0x193: {  	[hbm4b:s12+s3] =	stream.linear.scatter [tilespmem:s29], [sflag:$0x1], $0x1F40, $0x38;
	[tilespmem:$0x1F000] =	vst v63  }
0x194: {  	_ = 	snop  }
0x195: {  	[tilespmem:s28], [sflag:$0x2] =	stream.linear.gather [spmem:s24], $0x1F40, $0x38;
	[tilespmem:$0x1F000] =	vst v63  }
0x196: {  	_ =	swait.ge [sflag:s30], $0x1F40  }
0x197: {  	[sflag:s30] =	ssyncset.done $0x0  }
0x198: {  	[sflag:s30] =	ssyncadd.s32 $0xFFFFE0C0  }
0x199: {  	_ =	swait.ge [sflag:s31], $0x1F40  }
0x19a: {  	[sflag:s31] =	ssyncset.done $0x0  }
0x19b: {  	[sflag:s31] =	ssyncadd.s32 $0xFFFFE0C0  }
0x19c: {  	[hbm4b:s13+s3] =	stream.linear.scatter [tilespmem:s28], [sflag:$0x1], $0x1F40, $0x38;
	[tilespmem:$0x1F000] =	vst v63  }
0x19d: {  	_ = 	snop  }
0x19e: {  	[tilespmem:s29], [sflag:$0x2] =	stream.linear.gather [spmem:s20], $0x1F40, $0x38;
	[tilespmem:$0x1F000] =	vst v63  }
0x19f: {  	_ =	swait.ge [sflag:s30], $0x1F40  }
0x1a0: {  	[sflag:s30] =	ssyncset.done $0x0  }
0x1a1: {  	[sflag:s30] =	ssyncadd.s32 $0xFFFFE0C0  }
0x1a2: {  	_ =	swait.ge [sflag:s31], $0x1F40  }
0x1a3: {  	[sflag:s31] =	ssyncset.done $0x0  }
0x1a4: {  	[sflag:s31] =	ssyncadd.s32 $0xFFFFE0C0  }
0x1a5: {  	[hbm4b:s14+s3] =	stream.linear.scatter [tilespmem:s29], [sflag:$0x1], $0x1F40, $0x38;
	[tilespmem:$0x1F000] =	vst v63  }
0x1a6: {  	_ = 	snop  }
0x1a7: {  	[tilespmem:s28], [sflag:$0x2] =	stream.linear.gather [spmem:s25], $0x1F40, $0x38;
	[tilespmem:$0x1F000] =	vst v63  }
0x1a8: {  	_ =	swait.ge [sflag:s30], $0x1F40  }
0x1a9: {  	[sflag:s30] =	ssyncset.done $0x0  }
0x1aa: {  	[sflag:s30] =	ssyncadd.s32 $0xFFFFE0C0  }
0x1ab: {  	s4 =	sadd.s32 $0x1, s4;
	_ =	swait.ge [sflag:s31], $0x1F40  }
0x1ac: {  	p0 =	sne.s32 s4, s26;
	[sflag:s31] =	ssyncset.done $0x0  }
.Ltmp3:
0x1ad: {  	[sflag:s31] =	ssyncadd.s32 $0xFFFFE0C0;
	(pc) =	sbr.rel @p0 .LBB2_1-.Ltmp3, $4  }
0x1ae: {  	[hbm4b:s15+s3] =	stream.linear.scatter [tilespmem:s28], [sflag:$0x1], $0x1F40, $0x38;
	[tilespmem:$0x1F000] =	vst v63  }
0x1af: {  	_ =	swait.ge [sflag:s30], $0x1F40  }
0x1b0: {  	[sflag:s30] =	ssyncset.done $0x0  }
0x1b1: {  	[sflag:s30] =	ssyncadd.s32 $0xFFFFE0C0  }
0x1b2: {  	_ =	sfence.sel $0x180000  }
0x1b3: {  	[bflag:$0x0] =	sbarrier.arrive $0xFFFF  }
0x1b4: {  	_ =	strace $0x90000047  }
0x1b5: {  	s0 =	stileid.u32;
	[bflag:$0x2] =	sbarrier.arrive $0xFFFF  }
0x1b6: {  	p0 =	sne.s32 s0, $0x0;
	s0 =	rddreg [dreg:$0x4]  }
0x1b7: {  	s0 =	sadd.s32 @!p0 $0x100000, s0  }
0x1b8: {  	[sflag:s0] =	ssyncadd.tile.s32 @!p0 $0x1;
	_ =	shalt  }
.Lfunc_end2:
_tile_overlayer_lowered:
.L_overlay_start_2:
0x1b9: {  	(tag) =	ssettag $0x2  }
0x1ba: {  	s0 =	rddreg [dreg:$0x0];
	s2 =	stileid.u32  }
0x1bb: {  	s1 =	rddreg [dreg:$0x1];
	p0 =	sne.s32 s2, $0x0  }
0x1bc: {  	s3 =	rddreg [dreg:$0x2];
	[bflag:$0x3] =	sbarrier.arrive $0xFFFF;
	s2 =	simm.s32 @!p0 $0x1C03  }
0x1bd: {  	[timem:s3], [sflag:s2] =	dma.local @!p0 [hbm:s0], s1  }
0x1be: {  	s0 =	simm.s32 @!p0 $0x3  }
0x1bf: {  	_ =	swait.ge @!p0 [sflag:s0], s1  }
0x1c0: {  	s1 =	ssub.s32 @!p0 $0x0, s1;
	[sflag:s0] =	ssyncset.done @!p0 $0x0  }
0x1c1: {  	[sflag:s0] =	ssyncadd.s32 @!p0 s1  }
0x1c2: {  	[bflag:$0x3] =	sbarrier.arrive $0xFFFF  }
0x1c3: {  	_ =	shalt  }

</sc_bundles>
